<compile_context>
chip_gen: v7x
topology: tpu7x:2x2x1
jax: 0.10.2.dev20260603
libtpu: 0.0.44.dev20260713+nightly
codegen_flags: <defaults>
</compile_context>

<pallas_src>
import functools

import jax
import jax.numpy as jnp
from jax import lax
from jax.experimental import pallas as pl
from jax.experimental.pallas import tpu as pltpu
from jax.experimental.pallas import tpu_sc as plsc

N = 2048
D = 768
E = 8
K = 2

_NC = 2
_NS = 16
_NW = _NC * _NS
_LN = 16
_TPW = N // _NW
_GPW = _TPW // _LN


def _gate_kernel(x_ref, wg_ref, bg_ref, zt_ref):
    zt = lax.dot_general(
        wg_ref[...], x_ref[...], (((1,), (1,)), ((), ())),
        preferred_element_type=jnp.float32,
    )
    zt_ref[...] = zt + bg_ref[...]


def _sc_counts_body(zt_hbm, out_hbm, zv, accs):
    wid = lax.axis_index("s") * _NC + lax.axis_index("c")
    base = wid * _TPW
    for e in range(E):
        pltpu.sync_copy(zt_hbm.at[e, pl.ds(base, _TPW)], zv.at[e])
    acc = [jnp.zeros((_LN,), jnp.float32) for _ in range(E)]
    one = jnp.ones((_LN,), jnp.float32)
    zero = jnp.zeros((_LN,), jnp.float32)
    for j in range(_GPW):
        zs = [zv[e, pl.ds(j * _LN, _LN)] for e in range(E)]
        m1 = zs[0]
        for e in range(1, E):
            m1 = jnp.maximum(m1, zs[e])
        i1 = jnp.full((_LN,), E, jnp.int32)
        for e in reversed(range(E)):
            i1 = jnp.where(zs[e] == m1, e, i1)
        neg = jnp.full((_LN,), -3.0e38, jnp.float32)
        m2 = neg
        for e in range(E):
            m2 = jnp.maximum(m2, jnp.where(i1 == e, neg, zs[e]))
        i2 = jnp.full((_LN,), E, jnp.int32)
        for e in reversed(range(E)):
            i2 = jnp.where((zs[e] == m2) & (i1 != e), e, i2)
        for e in range(E):
            acc[e] = acc[e] + jnp.where(i1 == e, one, zero)
            acc[e] = acc[e] + jnp.where(i2 == e, one, zero)
    for e in range(E):
        accs[e, :] = acc[e]
    pltpu.sync_copy(accs, out_hbm.at[wid])


def _sc_counts(zt):
    mesh = plsc.VectorSubcoreMesh(core_axis_name="c", subcore_axis_name="s")
    fn = pl.kernel(
        _sc_counts_body,
        mesh=mesh,
        out_type=jax.ShapeDtypeStruct((_NW, E, _LN), jnp.float32),
        scratch_types=[
            pltpu.VMEM((E, _TPW), jnp.float32),
            pltpu.VMEM((E, _LN), jnp.float32),
        ],
    )
    return fn(zt)


def _expert_acc_kernel(cp_ref, x_ref, we_ref, be_ref, out_ref):
    e = pl.program_id(0)
    w = we_ref[0]
    z = lax.dot_general(
        x_ref[...], w, (((1,), (1,)), ((), ())),
        preferred_element_type=jnp.float32,
    )
    r = jnp.maximum(z + be_ref[0], 0.0)
    cp = cp_ref[...]
    row = jax.lax.broadcasted_iota(jnp.int32, cp.shape, 0)
    sel = (row % E) == e
    s = jnp.sum(jnp.where(sel, cp, 0.0), axis=(0, 1), keepdims=True)
    contrib = r * (s * (1.0 / float(N * K)))

    @pl.when(e == 0)
    def _():
        out_ref[...] = contrib

    @pl.when(e > 0)
    def _():
        out_ref[...] += contrib


def kernel(x, Wg, bg, We, be):
    zt = pl.pallas_call(
        _gate_kernel,
        out_shape=jax.ShapeDtypeStruct((E, N), jnp.float32),
    )(x, Wg, bg.reshape(E, 1))

    counts_partial = _sc_counts(zt).reshape(_NW * E, _LN)

    out = pl.pallas_call(
        _expert_acc_kernel,
        grid=(E,),
        in_specs=[
            pl.BlockSpec((_NW * E, _LN), lambda e: (0, 0)),
            pl.BlockSpec((N, D), lambda e: (0, 0)),
            pl.BlockSpec((1, D, D), lambda e: (e, 0, 0)),
            pl.BlockSpec((1, 1, D), lambda e: (e, 0, 0)),
        ],
        out_specs=pl.BlockSpec((N, D), lambda e: (0, 0)),
        out_shape=jax.ShapeDtypeStruct((N, D), jnp.float32),
    )(counts_partial, x, We, be.reshape(E, 1, D))
    return out

# --- scband reference (transcript-rebuilt; emitter-appended) ---
"""Pipeline reference for scband-mo-e-4355096838544 (READ-ONLY COPY).

The authoritative reference and input builder live on the scoring server;
editing this copy changes nothing except your own understanding.
"""

import jax, jax.numpy as jnp
import numpy as np

N = 2048
D = 768
E = 8
K = 2


def setup_inputs(seed: int = 0) -> dict:
    key = jax.random.key(seed)
    ks = jax.random.split(key, 4)
    x = jax.random.normal(ks[0], (N, D), dtype=jnp.float32)
    # gate: nn.Linear(d_model, num_experts) -> weight [E, D], bias [E]
    Wg = jax.random.normal(ks[1], (E, D), dtype=jnp.float32) * (1.0 / np.sqrt(D))
    bg = jnp.zeros((E,), dtype=jnp.float32)
    # experts: E x nn.Linear(d_model, d_model) -> weights [E, D, D] (out, in), biases [E, D]
    We = jax.random.normal(ks[2], (E, D, D), dtype=jnp.float32) * (1.0 / np.sqrt(D))
    be = jnp.zeros((E, D), dtype=jnp.float32)
    return {"x": x, "Wg": Wg, "bg": bg, "We": We, "be": be}


def reference(x, Wg, bg, We, be):
    # gate_outputs = self.gate(x)  -> [N, E]
    gate_outputs = x @ Wg.T + bg
    # top_k_indices = topk(...).indices.view(-1)  -> [N*K] int
    _, idx = jax.lax.top_k(gate_outputs, K)
    flat_idx = idx.reshape(-1)
    total = flat_idx.shape[0]  # N*K
    # The torch code applies expert[i] to the FULL x for every flattened index,
    # stacks [N*K, N, D] and means over dim 0. Since each expert output is
    # identical for repeated indices, mean over the stack equals the
    # count-weighted average of the E distinct expert outputs (same math,
    # avoids materializing the [N*K, N, D] stack).
    counts = jnp.bincount(flat_idx, length=E).astype(x.dtype)  # [E]
    # expert_out[e] = relu(x @ We[e].T + be[e])  -> [E, N, D]
    expert_outs = jax.nn.relu(jnp.einsum('nd,efd->enf', x, We) + be[:, None, :])
    out = jnp.einsum('e,enf->nf', counts, expert_outs) / float(total)
    return out

if __name__ == "__main__":
    import jax
    _d = setup_inputs()
    print(jax.jit(kernel)(*tuple(_d.values())))

</pallas_src>

<mosaic_0001>
#map = affine_map<(d0, d1) -> (0, 0)>
#map1 = affine_map<(d0, d1) -> (0, 0, 0)>
module attributes {stable_mosaic.version = 14 : i64} {
  func.func @_sc_counts_body(%arg0: i32, %arg1: i32, %arg2: memref<8x2048xf32, #tpu.memory_space<hbm>>, %arg3: memref<32x8x16xf32, #tpu.memory_space<hbm>>, %arg4: memref<8x64xf32, #tpu.memory_space<vmem>>, %arg5: memref<8x16xf32, #tpu.memory_space<vmem>>) attributes {dimension_semantics = [#tpu.dimension_semantics<core_parallel>, #tpu.dimension_semantics<subcore_parallel>], iteration_bounds = array<i64: 2, 16>, scalar_prefetch = 0 : i64, scratch_operands = 2 : i64, tpu.core_type = #tpu.core_type<sc_vector_subcore>, window_params = [{transform_indices = #map}, {transform_indices = #map1}]} {
    %mul3A = arith.constant 2 : i32
    %mul3A_0 = arith.muli %arg1, %mul3A : i32
    %add3A = arith.addi %mul3A_0, %arg0 : i32
    %mul3A_1 = arith.constant 64 : i32
    %mul3A_2 = arith.muli %add3A, %mul3A_1 : i32
    %run_scoped3A = arith.constant 0 : i32
    %run_scoped3A_3 = arith.constant 0 : i32
    "tpu.region"() ({
      %run_scoped3A_1153 = tpu.sem_alloc : memref<!tpu.dma_semaphore, #tpu.memory_space<semaphore_mem>>
      %dma_start3A = arith.constant 0 : i32
      %dma_start3A_1154 = tpu.memref_slice %arg4[%run_scoped3A_3, %dma_start3A] : memref<8x64xf32, #tpu.memory_space<vmem>> -> memref<1x64xf32, #tpu.memory_space<vmem>>
      %dma_start3A_1155 = tpu.memref_squeeze %dma_start3A_1154 : memref<1x64xf32, #tpu.memory_space<vmem>> -> memref<64xf32, #tpu.memory_space<vmem>>
      %dma_start3A_1156 = tpu.memref_slice %arg2[%run_scoped3A, %mul3A_2] : memref<8x2048xf32, #tpu.memory_space<hbm>> -> memref<1x64xf32, #tpu.memory_space<hbm>>
      %dma_start3A_1157 = tpu.memref_squeeze %dma_start3A_1156 : memref<1x64xf32, #tpu.memory_space<hbm>> -> memref<64xf32, #tpu.memory_space<hbm>>
      %dma_start3A_1158 = arith.constant 0 : i32
      %dma_start3A_1159 = tpu.memref_slice %arg4[%run_scoped3A_3, %dma_start3A_1158] : memref<8x64xf32, #tpu.memory_space<vmem>> -> memref<1x64xf32, #tpu.memory_space<vmem>>
      %dma_start3A_1160 = tpu.memref_squeeze %dma_start3A_1159 : memref<1x64xf32, #tpu.memory_space<vmem>> -> memref<64xf32, #tpu.memory_space<vmem>>
      %dma_start3A_1161 = tpu.memref_slice %arg2[%run_scoped3A, %mul3A_2] : memref<8x2048xf32, #tpu.memory_space<hbm>> -> memref<1x64xf32, #tpu.memory_space<hbm>>
      %dma_start3A_1162 = tpu.memref_squeeze %dma_start3A_1161 : memref<1x64xf32, #tpu.memory_space<hbm>> -> memref<64xf32, #tpu.memory_space<hbm>>
      tpu.enqueue_dma source(%dma_start3A_1162 : memref<64xf32, #tpu.memory_space<hbm>>) target(%dma_start3A_1160 : memref<64xf32, #tpu.memory_space<vmem>>) target_semaphore(%run_scoped3A_1153 : memref<!tpu.dma_semaphore, #tpu.memory_space<semaphore_mem>>)
      %dma_wait3A = arith.constant 0 : i32
      %dma_wait3A_1163 = tpu.memref_slice %arg4[%run_scoped3A_3, %dma_wait3A] : memref<8x64xf32, #tpu.memory_space<vmem>> -> memref<1x64xf32, #tpu.memory_space<vmem>>
      %dma_wait3A_1164 = tpu.memref_squeeze %dma_wait3A_1163 : memref<1x64xf32, #tpu.memory_space<vmem>> -> memref<64xf32, #tpu.memory_space<vmem>>
      %dma_wait3A_1165 = tpu.memref_slice %arg2[%run_scoped3A, %mul3A_2] : memref<8x2048xf32, #tpu.memory_space<hbm>> -> memref<1x64xf32, #tpu.memory_space<hbm>>
      %dma_wait3A_1166 = tpu.memref_squeeze %dma_wait3A_1165 : memref<1x64xf32, #tpu.memory_space<hbm>> -> memref<64xf32, #tpu.memory_space<hbm>>
      %dma_wait3A_1167 = arith.constant 0 : i32
      %dma_wait3A_1168 = tpu.memref_slice %arg4[%run_scoped3A_3, %dma_wait3A_1167] : memref<8x64xf32, #tpu.memory_space<vmem>> -> memref<1x64xf32, #tpu.memory_space<vmem>>
      %dma_wait3A_1169 = tpu.memref_squeeze %dma_wait3A_1168 : memref<1x64xf32, #tpu.memory_space<vmem>> -> memref<64xf32, #tpu.memory_space<vmem>>
      %dma_wait3A_1170 = tpu.memref_slice %arg2[%run_scoped3A, %mul3A_2] : memref<8x2048xf32, #tpu.memory_space<hbm>> -> memref<1x64xf32, #tpu.memory_space<hbm>>
      %dma_wait3A_1171 = tpu.memref_squeeze %dma_wait3A_1170 : memref<1x64xf32, #tpu.memory_space<hbm>> -> memref<64xf32, #tpu.memory_space<hbm>>
      tpu.wait_dma2 semaphore(%run_scoped3A_1153 : memref<!tpu.dma_semaphore, #tpu.memory_space<semaphore_mem>>) src(%dma_wait3A_1171 : memref<64xf32, #tpu.memory_space<hbm>>) dst(%dma_wait3A_1169 : memref<64xf32, #tpu.memory_space<vmem>>)
      tpu.yield
    }) : () -> ()
    %run_scoped3A_4 = arith.constant 1 : i32
    %run_scoped3A_5 = arith.constant 1 : i32
    "tpu.region"() ({
      %run_scoped3A_1153 = tpu.sem_alloc : memref<!tpu.dma_semaphore, #tpu.memory_space<semaphore_mem>>
      %dma_start3A = arith.constant 0 : i32
      %dma_start3A_1154 = tpu.memref_slice %arg4[%run_scoped3A_5, %dma_start3A] : memref<8x64xf32, #tpu.memory_space<vmem>> -> memref<1x64xf32, #tpu.memory_space<vmem>>
      %dma_start3A_1155 = tpu.memref_squeeze %dma_start3A_1154 : memref<1x64xf32, #tpu.memory_space<vmem>> -> memref<64xf32, #tpu.memory_space<vmem>>
      %dma_start3A_1156 = tpu.memref_slice %arg2[%run_scoped3A_4, %mul3A_2] : memref<8x2048xf32, #tpu.memory_space<hbm>> -> memref<1x64xf32, #tpu.memory_space<hbm>>
      %dma_start3A_1157 = tpu.memref_squeeze %dma_start3A_1156 : memref<1x64xf32, #tpu.memory_space<hbm>> -> memref<64xf32, #tpu.memory_space<hbm>>
      %dma_start3A_1158 = arith.constant 0 : i32
      %dma_start3A_1159 = tpu.memref_slice %arg4[%run_scoped3A_5, %dma_start3A_1158] : memref<8x64xf32, #tpu.memory_space<vmem>> -> memref<1x64xf32, #tpu.memory_space<vmem>>
      %dma_start3A_1160 = tpu.memref_squeeze %dma_start3A_1159 : memref<1x64xf32, #tpu.memory_space<vmem>> -> memref<64xf32, #tpu.memory_space<vmem>>
      %dma_start3A_1161 = tpu.memref_slice %arg2[%run_scoped3A_4, %mul3A_2] : memref<8x2048xf32, #tpu.memory_space<hbm>> -> memref<1x64xf32, #tpu.memory_space<hbm>>
      %dma_start3A_1162 = tpu.memref_squeeze %dma_start3A_1161 : memref<1x64xf32, #tpu.memory_space<hbm>> -> memref<64xf32, #tpu.memory_space<hbm>>
      tpu.enqueue_dma source(%dma_start3A_1162 : memref<64xf32, #tpu.memory_space<hbm>>) target(%dma_start3A_1160 : memref<64xf32, #tpu.memory_space<vmem>>) target_semaphore(%run_scoped3A_1153 : memref<!tpu.dma_semaphore, #tpu.memory_space<semaphore_mem>>)
      %dma_wait3A = arith.constant 0 : i32
      %dma_wait3A_1163 = tpu.memref_slice %arg4[%run_scoped3A_5, %dma_wait3A] : memref<8x64xf32, #tpu.memory_space<vmem>> -> memref<1x64xf32, #tpu.memory_space<vmem>>
      %dma_wait3A_1164 = tpu.memref_squeeze %dma_wait3A_1163 : memref<1x64xf32, #tpu.memory_space<vmem>> -> memref<64xf32, #tpu.memory_space<vmem>>
      %dma_wait3A_1165 = tpu.memref_slice %arg2[%run_scoped3A_4, %mul3A_2] : memref<8x2048xf32, #tpu.memory_space<hbm>> -> memref<1x64xf32, #tpu.memory_space<hbm>>
      %dma_wait3A_1166 = tpu.memref_squeeze %dma_wait3A_1165 : memref<1x64xf32, #tpu.memory_space<hbm>> -> memref<64xf32, #tpu.memory_space<hbm>>
      %dma_wait3A_1167 = arith.constant 0 : i32
      %dma_wait3A_1168 = tpu.memref_slice %arg4[%run_scoped3A_5, %dma_wait3A_1167] : memref<8x64xf32, #tpu.memory_space<vmem>> -> memref<1x64xf32, #tpu.memory_space<vmem>>
      %dma_wait3A_1169 = tpu.memref_squeeze %dma_wait3A_1168 : memref<1x64xf32, #tpu.memory_space<vmem>> -> memref<64xf32, #tpu.memory_space<vmem>>
      %dma_wait3A_1170 = tpu.memref_slice %arg2[%run_scoped3A_4, %mul3A_2] : memref<8x2048xf32, #tpu.memory_space<hbm>> -> memref<1x64xf32, #tpu.memory_space<hbm>>
      %dma_wait3A_1171 = tpu.memref_squeeze %dma_wait3A_1170 : memref<1x64xf32, #tpu.memory_space<hbm>> -> memref<64xf32, #tpu.memory_space<hbm>>
      tpu.wait_dma2 semaphore(%run_scoped3A_1153 : memref<!tpu.dma_semaphore, #tpu.memory_space<semaphore_mem>>) src(%dma_wait3A_1171 : memref<64xf32, #tpu.memory_space<hbm>>) dst(%dma_wait3A_1169 : memref<64xf32, #tpu.memory_space<vmem>>)
      tpu.yield
    }) : () -> ()
    %run_scoped3A_6 = arith.constant 2 : i32
    %run_scoped3A_7 = arith.constant 2 : i32
    "tpu.region"() ({
      %run_scoped3A_1153 = tpu.sem_alloc : memref<!tpu.dma_semaphore, #tpu.memory_space<semaphore_mem>>
      %dma_start3A = arith.constant 0 : i32
      %dma_start3A_1154 = tpu.memref_slice %arg4[%run_scoped3A_7, %dma_start3A] : memref<8x64xf32, #tpu.memory_space<vmem>> -> memref<1x64xf32, #tpu.memory_space<vmem>>
      %dma_start3A_1155 = tpu.memref_squeeze %dma_start3A_1154 : memref<1x64xf32, #tpu.memory_space<vmem>> -> memref<64xf32, #tpu.memory_space<vmem>>
      %dma_start3A_1156 = tpu.memref_slice %arg2[%run_scoped3A_6, %mul3A_2] : memref<8x2048xf32, #tpu.memory_space<hbm>> -> memref<1x64xf32, #tpu.memory_space<hbm>>
      %dma_start3A_1157 = tpu.memref_squeeze %dma_start3A_1156 : memref<1x64xf32, #tpu.memory_space<hbm>> -> memref<64xf32, #tpu.memory_space<hbm>>
      %dma_start3A_1158 = arith.constant 0 : i32
      %dma_start3A_1159 = tpu.memref_slice %arg4[%run_scoped3A_7, %dma_start3A_1158] : memref<8x64xf32, #tpu.memory_space<vmem>> -> memref<1x64xf32, #tpu.memory_space<vmem>>
      %dma_start3A_1160 = tpu.memref_squeeze %dma_start3A_1159 : memref<1x64xf32, #tpu.memory_space<vmem>> -> memref<64xf32, #tpu.memory_space<vmem>>
      %dma_start3A_1161 = tpu.memref_slice %arg2[%run_scoped3A_6, %mul3A_2] : memref<8x2048xf32, #tpu.memory_space<hbm>> -> memref<1x64xf32, #tpu.memory_space<hbm>>
      %dma_start3A_1162 = tpu.memref_squeeze %dma_start3A_1161 : memref<1x64xf32, #tpu.memory_space<hbm>> -> memref<64xf32, #tpu.memory_space<hbm>>
      tpu.enqueue_dma source(%dma_start3A_1162 : memref<64xf32, #tpu.memory_space<hbm>>) target(%dma_start3A_1160 : memref<64xf32, #tpu.memory_space<vmem>>) target_semaphore(%run_scoped3A_1153 : memref<!tpu.dma_semaphore, #tpu.memory_space<semaphore_mem>>)
      %dma_wait3A = arith.constant 0 : i32
      %dma_wait3A_1163 = tpu.memref_slice %arg4[%run_scoped3A_7, %dma_wait3A] : memref<8x64xf32, #tpu.memory_space<vmem>> -> memref<1x64xf32, #tpu.memory_space<vmem>>
      %dma_wait3A_1164 = tpu.memref_squeeze %dma_wait3A_1163 : memref<1x64xf32, #tpu.memory_space<vmem>> -> memref<64xf32, #tpu.memory_space<vmem>>
      %dma_wait3A_1165 = tpu.memref_slice %arg2[%run_scoped3A_6, %mul3A_2] : memref<8x2048xf32, #tpu.memory_space<hbm>> -> memref<1x64xf32, #tpu.memory_space<hbm>>
      %dma_wait3A_1166 = tpu.memref_squeeze %dma_wait3A_1165 : memref<1x64xf32, #tpu.memory_space<hbm>> -> memref<64xf32, #tpu.memory_space<hbm>>
      %dma_wait3A_1167 = arith.constant 0 : i32
      %dma_wait3A_1168 = tpu.memref_slice %arg4[%run_scoped3A_7, %dma_wait3A_1167] : memref<8x64xf32, #tpu.memory_space<vmem>> -> memref<1x64xf32, #tpu.memory_space<vmem>>
      %dma_wait3A_1169 = tpu.memref_squeeze %dma_wait3A_1168 : memref<1x64xf32, #tpu.memory_space<vmem>> -> memref<64xf32, #tpu.memory_space<vmem>>
      %dma_wait3A_1170 = tpu.memref_slice %arg2[%run_scoped3A_6, %mul3A_2] : memref<8x2048xf32, #tpu.memory_space<hbm>> -> memref<1x64xf32, #tpu.memory_space<hbm>>
      %dma_wait3A_1171 = tpu.memref_squeeze %dma_wait3A_1170 : memref<1x64xf32, #tpu.memory_space<hbm>> -> memref<64xf32, #tpu.memory_space<hbm>>
      tpu.wait_dma2 semaphore(%run_scoped3A_1153 : memref<!tpu.dma_semaphore, #tpu.memory_space<semaphore_mem>>) src(%dma_wait3A_1171 : memref<64xf32, #tpu.memory_space<hbm>>) dst(%dma_wait3A_1169 : memref<64xf32, #tpu.memory_space<vmem>>)
      tpu.yield
    }) : () -> ()
    %run_scoped3A_8 = arith.constant 3 : i32
    %run_scoped3A_9 = arith.constant 3 : i32
    "tpu.region"() ({
      %run_scoped3A_1153 = tpu.sem_alloc : memref<!tpu.dma_semaphore, #tpu.memory_space<semaphore_mem>>
      %dma_start3A = arith.constant 0 : i32
      %dma_start3A_1154 = tpu.memref_slice %arg4[%run_scoped3A_9, %dma_start3A] : memref<8x64xf32, #tpu.memory_space<vmem>> -> memref<1x64xf32, #tpu.memory_space<vmem>>
      %dma_start3A_1155 = tpu.memref_squeeze %dma_start3A_1154 : memref<1x64xf32, #tpu.memory_space<vmem>> -> memref<64xf32, #tpu.memory_space<vmem>>
      %dma_start3A_1156 = tpu.memref_slice %arg2[%run_scoped3A_8, %mul3A_2] : memref<8x2048xf32, #tpu.memory_space<hbm>> -> memref<1x64xf32, #tpu.memory_space<hbm>>
      %dma_start3A_1157 = tpu.memref_squeeze %dma_start3A_1156 : memref<1x64xf32, #tpu.memory_space<hbm>> -> memref<64xf32, #tpu.memory_space<hbm>>
      %dma_start3A_1158 = arith.constant 0 : i32
      %dma_start3A_1159 = tpu.memref_slice %arg4[%run_scoped3A_9, %dma_start3A_1158] : memref<8x64xf32, #tpu.memory_space<vmem>> -> memref<1x64xf32, #tpu.memory_space<vmem>>
      %dma_start3A_1160 = tpu.memref_squeeze %dma_start3A_1159 : memref<1x64xf32, #tpu.memory_space<vmem>> -> memref<64xf32, #tpu.memory_space<vmem>>
      %dma_start3A_1161 = tpu.memref_slice %arg2[%run_scoped3A_8, %mul3A_2] : memref<8x2048xf32, #tpu.memory_space<hbm>> -> memref<1x64xf32, #tpu.memory_space<hbm>>
      %dma_start3A_1162 = tpu.memref_squeeze %dma_start3A_1161 : memref<1x64xf32, #tpu.memory_space<hbm>> -> memref<64xf32, #tpu.memory_space<hbm>>
      tpu.enqueue_dma source(%dma_start3A_1162 : memref<64xf32, #tpu.memory_space<hbm>>) target(%dma_start3A_1160 : memref<64xf32, #tpu.memory_space<vmem>>) target_semaphore(%run_scoped3A_1153 : memref<!tpu.dma_semaphore, #tpu.memory_space<semaphore_mem>>)
      %dma_wait3A = arith.constant 0 : i32
      %dma_wait3A_1163 = tpu.memref_slice %arg4[%run_scoped3A_9, %dma_wait3A] : memref<8x64xf32, #tpu.memory_space<vmem>> -> memref<1x64xf32, #tpu.memory_space<vmem>>
      %dma_wait3A_1164 = tpu.memref_squeeze %dma_wait3A_1163 : memref<1x64xf32, #tpu.memory_space<vmem>> -> memref<64xf32, #tpu.memory_space<vmem>>
      %dma_wait3A_1165 = tpu.memref_slice %arg2[%run_scoped3A_8, %mul3A_2] : memref<8x2048xf32, #tpu.memory_space<hbm>> -> memref<1x64xf32, #tpu.memory_space<hbm>>
      %dma_wait3A_1166 = tpu.memref_squeeze %dma_wait3A_1165 : memref<1x64xf32, #tpu.memory_space<hbm>> -> memref<64xf32, #tpu.memory_space<hbm>>
      %dma_wait3A_1167 = arith.constant 0 : i32
      %dma_wait3A_1168 = tpu.memref_slice %arg4[%run_scoped3A_9, %dma_wait3A_1167] : memref<8x64xf32, #tpu.memory_space<vmem>> -> memref<1x64xf32, #tpu.memory_space<vmem>>
      %dma_wait3A_1169 = tpu.memref_squeeze %dma_wait3A_1168 : memref<1x64xf32, #tpu.memory_space<vmem>> -> memref<64xf32, #tpu.memory_space<vmem>>
      %dma_wait3A_1170 = tpu.memref_slice %arg2[%run_scoped3A_8, %mul3A_2] : memref<8x2048xf32, #tpu.memory_space<hbm>> -> memref<1x64xf32, #tpu.memory_space<hbm>>
      %dma_wait3A_1171 = tpu.memref_squeeze %dma_wait3A_1170 : memref<1x64xf32, #tpu.memory_space<hbm>> -> memref<64xf32, #tpu.memory_space<hbm>>
      tpu.wait_dma2 semaphore(%run_scoped3A_1153 : memref<!tpu.dma_semaphore, #tpu.memory_space<semaphore_mem>>) src(%dma_wait3A_1171 : memref<64xf32, #tpu.memory_space<hbm>>) dst(%dma_wait3A_1169 : memref<64xf32, #tpu.memory_space<vmem>>)
      tpu.yield
    }) : () -> ()
    %run_scoped3A_10 = arith.constant 4 : i32
    %run_scoped3A_11 = arith.constant 4 : i32
    "tpu.region"() ({
      %run_scoped3A_1153 = tpu.sem_alloc : memref<!tpu.dma_semaphore, #tpu.memory_space<semaphore_mem>>
      %dma_start3A = arith.constant 0 : i32
      %dma_start3A_1154 = tpu.memref_slice %arg4[%run_scoped3A_11, %dma_start3A] : memref<8x64xf32, #tpu.memory_space<vmem>> -> memref<1x64xf32, #tpu.memory_space<vmem>>
      %dma_start3A_1155 = tpu.memref_squeeze %dma_start3A_1154 : memref<1x64xf32, #tpu.memory_space<vmem>> -> memref<64xf32, #tpu.memory_space<vmem>>
      %dma_start3A_1156 = tpu.memref_slice %arg2[%run_scoped3A_10, %mul3A_2] : memref<8x2048xf32, #tpu.memory_space<hbm>> -> memref<1x64xf32, #tpu.memory_space<hbm>>
      %dma_start3A_1157 = tpu.memref_squeeze %dma_start3A_1156 : memref<1x64xf32, #tpu.memory_space<hbm>> -> memref<64xf32, #tpu.memory_space<hbm>>
      %dma_start3A_1158 = arith.constant 0 : i32
      %dma_start3A_1159 = tpu.memref_slice %arg4[%run_scoped3A_11, %dma_start3A_1158] : memref<8x64xf32, #tpu.memory_space<vmem>> -> memref<1x64xf32, #tpu.memory_space<vmem>>
      %dma_start3A_1160 = tpu.memref_squeeze %dma_start3A_1159 : memref<1x64xf32, #tpu.memory_space<vmem>> -> memref<64xf32, #tpu.memory_space<vmem>>
      %dma_start3A_1161 = tpu.memref_slice %arg2[%run_scoped3A_10, %mul3A_2] : memref<8x2048xf32, #tpu.memory_space<hbm>> -> memref<1x64xf32, #tpu.memory_space<hbm>>
      %dma_start3A_1162 = tpu.memref_squeeze %dma_start3A_1161 : memref<1x64xf32, #tpu.memory_space<hbm>> -> memref<64xf32, #tpu.memory_space<hbm>>
      tpu.enqueue_dma source(%dma_start3A_1162 : memref<64xf32, #tpu.memory_space<hbm>>) target(%dma_start3A_1160 : memref<64xf32, #tpu.memory_space<vmem>>) target_semaphore(%run_scoped3A_1153 : memref<!tpu.dma_semaphore, #tpu.memory_space<semaphore_mem>>)
      %dma_wait3A = arith.constant 0 : i32
      %dma_wait3A_1163 = tpu.memref_slice %arg4[%run_scoped3A_11, %dma_wait3A] : memref<8x64xf32, #tpu.memory_space<vmem>> -> memref<1x64xf32, #tpu.memory_space<vmem>>
      %dma_wait3A_1164 = tpu.memref_squeeze %dma_wait3A_1163 : memref<1x64xf32, #tpu.memory_space<vmem>> -> memref<64xf32, #tpu.memory_space<vmem>>
      %dma_wait3A_1165 = tpu.memref_slice %arg2[%run_scoped3A_10, %mul3A_2] : memref<8x2048xf32, #tpu.memory_space<hbm>> -> memref<1x64xf32, #tpu.memory_space<hbm>>
      %dma_wait3A_1166 = tpu.memref_squeeze %dma_wait3A_1165 : memref<1x64xf32, #tpu.memory_space<hbm>> -> memref<64xf32, #tpu.memory_space<hbm>>
      %dma_wait3A_1167 = arith.constant 0 : i32
      %dma_wait3A_1168 = tpu.memref_slice %arg4[%run_scoped3A_11, %dma_wait3A_1167] : memref<8x64xf32, #tpu.memory_space<vmem>> -> memref<1x64xf32, #tpu.memory_space<vmem>>
      %dma_wait3A_1169 = tpu.memref_squeeze %dma_wait3A_1168 : memref<1x64xf32, #tpu.memory_space<vmem>> -> memref<64xf32, #tpu.memory_space<vmem>>
      %dma_wait3A_1170 = tpu.memref_slice %arg2[%run_scoped3A_10, %mul3A_2] : memref<8x2048xf32, #tpu.memory_space<hbm>> -> memref<1x64xf32, #tpu.memory_space<hbm>>
      %dma_wait3A_1171 = tpu.memref_squeeze %dma_wait3A_1170 : memref<1x64xf32, #tpu.memory_space<hbm>> -> memref<64xf32, #tpu.memory_space<hbm>>
      tpu.wait_dma2 semaphore(%run_scoped3A_1153 : memref<!tpu.dma_semaphore, #tpu.memory_space<semaphore_mem>>) src(%dma_wait3A_1171 : memref<64xf32, #tpu.memory_space<hbm>>) dst(%dma_wait3A_1169 : memref<64xf32, #tpu.memory_space<vmem>>)
      tpu.yield
    }) : () -> ()
    %run_scoped3A_12 = arith.constant 5 : i32
    %run_scoped3A_13 = arith.constant 5 : i32
    "tpu.region"() ({
      %run_scoped3A_1153 = tpu.sem_alloc : memref<!tpu.dma_semaphore, #tpu.memory_space<semaphore_mem>>
      %dma_start3A = arith.constant 0 : i32
      %dma_start3A_1154 = tpu.memref_slice %arg4[%run_scoped3A_13, %dma_start3A] : memref<8x64xf32, #tpu.memory_space<vmem>> -> memref<1x64xf32, #tpu.memory_space<vmem>>
      %dma_start3A_1155 = tpu.memref_squeeze %dma_start3A_1154 : memref<1x64xf32, #tpu.memory_space<vmem>> -> memref<64xf32, #tpu.memory_space<vmem>>
      %dma_start3A_1156 = tpu.memref_slice %arg2[%run_scoped3A_12, %mul3A_2] : memref<8x2048xf32, #tpu.memory_space<hbm>> -> memref<1x64xf32, #tpu.memory_space<hbm>>
      %dma_start3A_1157 = tpu.memref_squeeze %dma_start3A_1156 : memref<1x64xf32, #tpu.memory_space<hbm>> -> memref<64xf32, #tpu.memory_space<hbm>>
      %dma_start3A_1158 = arith.constant 0 : i32
      %dma_start3A_1159 = tpu.memref_slice %arg4[%run_scoped3A_13, %dma_start3A_1158] : memref<8x64xf32, #tpu.memory_space<vmem>> -> memref<1x64xf32, #tpu.memory_space<vmem>>
      %dma_start3A_1160 = tpu.memref_squeeze %dma_start3A_1159 : memref<1x64xf32, #tpu.memory_space<vmem>> -> memref<64xf32, #tpu.memory_space<vmem>>
      %dma_start3A_1161 = tpu.memref_slice %arg2[%run_scoped3A_12, %mul3A_2] : memref<8x2048xf32, #tpu.memory_space<hbm>> -> memref<1x64xf32, #tpu.memory_space<hbm>>
      %dma_start3A_1162 = tpu.memref_squeeze %dma_start3A_1161 : memref<1x64xf32, #tpu.memory_space<hbm>> -> memref<64xf32, #tpu.memory_space<hbm>>
      tpu.enqueue_dma source(%dma_start3A_1162 : memref<64xf32, #tpu.memory_space<hbm>>) target(%dma_start3A_1160 : memref<64xf32, #tpu.memory_space<vmem>>) target_semaphore(%run_scoped3A_1153 : memref<!tpu.dma_semaphore, #tpu.memory_space<semaphore_mem>>)
      %dma_wait3A = arith.constant 0 : i32
      %dma_wait3A_1163 = tpu.memref_slice %arg4[%run_scoped3A_13, %dma_wait3A] : memref<8x64xf32, #tpu.memory_space<vmem>> -> memref<1x64xf32, #tpu.memory_space<vmem>>
      %dma_wait3A_1164 = tpu.memref_squeeze %dma_wait3A_1163 : memref<1x64xf32, #tpu.memory_space<vmem>> -> memref<64xf32, #tpu.memory_space<vmem>>
      %dma_wait3A_1165 = tpu.memref_slice %arg2[%run_scoped3A_12, %mul3A_2] : memref<8x2048xf32, #tpu.memory_space<hbm>> -> memref<1x64xf32, #tpu.memory_space<hbm>>
      %dma_wait3A_1166 = tpu.memref_squeeze %dma_wait3A_1165 : memref<1x64xf32, #tpu.memory_space<hbm>> -> memref<64xf32, #tpu.memory_space<hbm>>
      %dma_wait3A_1167 = arith.constant 0 : i32
      %dma_wait3A_1168 = tpu.memref_slice %arg4[%run_scoped3A_13, %dma_wait3A_1167] : memref<8x64xf32, #tpu.memory_space<vmem>> -> memref<1x64xf32, #tpu.memory_space<vmem>>
      %dma_wait3A_1169 = tpu.memref_squeeze %dma_wait3A_1168 : memref<1x64xf32, #tpu.memory_space<vmem>> -> memref<64xf32, #tpu.memory_space<vmem>>
      %dma_wait3A_1170 = tpu.memref_slice %arg2[%run_scoped3A_12, %mul3A_2] : memref<8x2048xf32, #tpu.memory_space<hbm>> -> memref<1x64xf32, #tpu.memory_space<hbm>>
      %dma_wait3A_1171 = tpu.memref_squeeze %dma_wait3A_1170 : memref<1x64xf32, #tpu.memory_space<hbm>> -> memref<64xf32, #tpu.memory_space<hbm>>
      tpu.wait_dma2 semaphore(%run_scoped3A_1153 : memref<!tpu.dma_semaphore, #tpu.memory_space<semaphore_mem>>) src(%dma_wait3A_1171 : memref<64xf32, #tpu.memory_space<hbm>>) dst(%dma_wait3A_1169 : memref<64xf32, #tpu.memory_space<vmem>>)
      tpu.yield
    }) : () -> ()
    %run_scoped3A_14 = arith.constant 6 : i32
    %run_scoped3A_15 = arith.constant 6 : i32
    "tpu.region"() ({
      %run_scoped3A_1153 = tpu.sem_alloc : memref<!tpu.dma_semaphore, #tpu.memory_space<semaphore_mem>>
      %dma_start3A = arith.constant 0 : i32
      %dma_start3A_1154 = tpu.memref_slice %arg4[%run_scoped3A_15, %dma_start3A] : memref<8x64xf32, #tpu.memory_space<vmem>> -> memref<1x64xf32, #tpu.memory_space<vmem>>
      %dma_start3A_1155 = tpu.memref_squeeze %dma_start3A_1154 : memref<1x64xf32, #tpu.memory_space<vmem>> -> memref<64xf32, #tpu.memory_space<vmem>>
      %dma_start3A_1156 = tpu.memref_slice %arg2[%run_scoped3A_14, %mul3A_2] : memref<8x2048xf32, #tpu.memory_space<hbm>> -> memref<1x64xf32, #tpu.memory_space<hbm>>
      %dma_start3A_1157 = tpu.memref_squeeze %dma_start3A_1156 : memref<1x64xf32, #tpu.memory_space<hbm>> -> memref<64xf32, #tpu.memory_space<hbm>>
      %dma_start3A_1158 = arith.constant 0 : i32
      %dma_start3A_1159 = tpu.memref_slice %arg4[%run_scoped3A_15, %dma_start3A_1158] : memref<8x64xf32, #tpu.memory_space<vmem>> -> memref<1x64xf32, #tpu.memory_space<vmem>>
      %dma_start3A_1160 = tpu.memref_squeeze %dma_start3A_1159 : memref<1x64xf32, #tpu.memory_space<vmem>> -> memref<64xf32, #tpu.memory_space<vmem>>
      %dma_start3A_1161 = tpu.memref_slice %arg2[%run_scoped3A_14, %mul3A_2] : memref<8x2048xf32, #tpu.memory_space<hbm>> -> memref<1x64xf32, #tpu.memory_space<hbm>>
      %dma_start3A_1162 = tpu.memref_squeeze %dma_start3A_1161 : memref<1x64xf32, #tpu.memory_space<hbm>> -> memref<64xf32, #tpu.memory_space<hbm>>
      tpu.enqueue_dma source(%dma_start3A_1162 : memref<64xf32, #tpu.memory_space<hbm>>) target(%dma_start3A_1160 : memref<64xf32, #tpu.memory_space<vmem>>) target_semaphore(%run_scoped3A_1153 : memref<!tpu.dma_semaphore, #tpu.memory_space<semaphore_mem>>)
      %dma_wait3A = arith.constant 0 : i32
      %dma_wait3A_1163 = tpu.memref_slice %arg4[%run_scoped3A_15, %dma_wait3A] : memref<8x64xf32, #tpu.memory_space<vmem>> -> memref<1x64xf32, #tpu.memory_space<vmem>>
      %dma_wait3A_1164 = tpu.memref_squeeze %dma_wait3A_1163 : memref<1x64xf32, #tpu.memory_space<vmem>> -> memref<64xf32, #tpu.memory_space<vmem>>
      %dma_wait3A_1165 = tpu.memref_slice %arg2[%run_scoped3A_14, %mul3A_2] : memref<8x2048xf32, #tpu.memory_space<hbm>> -> memref<1x64xf32, #tpu.memory_space<hbm>>
      %dma_wait3A_1166 = tpu.memref_squeeze %dma_wait3A_1165 : memref<1x64xf32, #tpu.memory_space<hbm>> -> memref<64xf32, #tpu.memory_space<hbm>>
      %dma_wait3A_1167 = arith.constant 0 : i32
      %dma_wait3A_1168 = tpu.memref_slice %arg4[%run_scoped3A_15, %dma_wait3A_1167] : memref<8x64xf32, #tpu.memory_space<vmem>> -> memref<1x64xf32, #tpu.memory_space<vmem>>
      %dma_wait3A_1169 = tpu.memref_squeeze %dma_wait3A_1168 : memref<1x64xf32, #tpu.memory_space<vmem>> -> memref<64xf32, #tpu.memory_space<vmem>>
      %dma_wait3A_1170 = tpu.memref_slice %arg2[%run_scoped3A_14, %mul3A_2] : memref<8x2048xf32, #tpu.memory_space<hbm>> -> memref<1x64xf32, #tpu.memory_space<hbm>>
      %dma_wait3A_1171 = tpu.memref_squeeze %dma_wait3A_1170 : memref<1x64xf32, #tpu.memory_space<hbm>> -> memref<64xf32, #tpu.memory_space<hbm>>
      tpu.wait_dma2 semaphore(%run_scoped3A_1153 : memref<!tpu.dma_semaphore, #tpu.memory_space<semaphore_mem>>) src(%dma_wait3A_1171 : memref<64xf32, #tpu.memory_space<hbm>>) dst(%dma_wait3A_1169 : memref<64xf32, #tpu.memory_space<vmem>>)
      tpu.yield
    }) : () -> ()
    %run_scoped3A_16 = arith.constant 7 : i32
    %run_scoped3A_17 = arith.constant 7 : i32
    "tpu.region"() ({
      %run_scoped3A_1153 = tpu.sem_alloc : memref<!tpu.dma_semaphore, #tpu.memory_space<semaphore_mem>>
      %dma_start3A = arith.constant 0 : i32
      %dma_start3A_1154 = tpu.memref_slice %arg4[%run_scoped3A_17, %dma_start3A] : memref<8x64xf32, #tpu.memory_space<vmem>> -> memref<1x64xf32, #tpu.memory_space<vmem>>
      %dma_start3A_1155 = tpu.memref_squeeze %dma_start3A_1154 : memref<1x64xf32, #tpu.memory_space<vmem>> -> memref<64xf32, #tpu.memory_space<vmem>>
      %dma_start3A_1156 = tpu.memref_slice %arg2[%run_scoped3A_16, %mul3A_2] : memref<8x2048xf32, #tpu.memory_space<hbm>> -> memref<1x64xf32, #tpu.memory_space<hbm>>
      %dma_start3A_1157 = tpu.memref_squeeze %dma_start3A_1156 : memref<1x64xf32, #tpu.memory_space<hbm>> -> memref<64xf32, #tpu.memory_space<hbm>>
      %dma_start3A_1158 = arith.constant 0 : i32
      %dma_start3A_1159 = tpu.memref_slice %arg4[%run_scoped3A_17, %dma_start3A_1158] : memref<8x64xf32, #tpu.memory_space<vmem>> -> memref<1x64xf32, #tpu.memory_space<vmem>>
      %dma_start3A_1160 = tpu.memref_squeeze %dma_start3A_1159 : memref<1x64xf32, #tpu.memory_space<vmem>> -> memref<64xf32, #tpu.memory_space<vmem>>
      %dma_start3A_1161 = tpu.memref_slice %arg2[%run_scoped3A_16, %mul3A_2] : memref<8x2048xf32, #tpu.memory_space<hbm>> -> memref<1x64xf32, #tpu.memory_space<hbm>>
      %dma_start3A_1162 = tpu.memref_squeeze %dma_start3A_1161 : memref<1x64xf32, #tpu.memory_space<hbm>> -> memref<64xf32, #tpu.memory_space<hbm>>
      tpu.enqueue_dma source(%dma_start3A_1162 : memref<64xf32, #tpu.memory_space<hbm>>) target(%dma_start3A_1160 : memref<64xf32, #tpu.memory_space<vmem>>) target_semaphore(%run_scoped3A_1153 : memref<!tpu.dma_semaphore, #tpu.memory_space<semaphore_mem>>)
      %dma_wait3A = arith.constant 0 : i32
      %dma_wait3A_1163 = tpu.memref_slice %arg4[%run_scoped3A_17, %dma_wait3A] : memref<8x64xf32, #tpu.memory_space<vmem>> -> memref<1x64xf32, #tpu.memory_space<vmem>>
      %dma_wait3A_1164 = tpu.memref_squeeze %dma_wait3A_1163 : memref<1x64xf32, #tpu.memory_space<vmem>> -> memref<64xf32, #tpu.memory_space<vmem>>
      %dma_wait3A_1165 = tpu.memref_slice %arg2[%run_scoped3A_16, %mul3A_2] : memref<8x2048xf32, #tpu.memory_space<hbm>> -> memref<1x64xf32, #tpu.memory_space<hbm>>
      %dma_wait3A_1166 = tpu.memref_squeeze %dma_wait3A_1165 : memref<1x64xf32, #tpu.memory_space<hbm>> -> memref<64xf32, #tpu.memory_space<hbm>>
      %dma_wait3A_1167 = arith.constant 0 : i32
      %dma_wait3A_1168 = tpu.memref_slice %arg4[%run_scoped3A_17, %dma_wait3A_1167] : memref<8x64xf32, #tpu.memory_space<vmem>> -> memref<1x64xf32, #tpu.memory_space<vmem>>
      %dma_wait3A_1169 = tpu.memref_squeeze %dma_wait3A_1168 : memref<1x64xf32, #tpu.memory_space<vmem>> -> memref<64xf32, #tpu.memory_space<vmem>>
      %dma_wait3A_1170 = tpu.memref_slice %arg2[%run_scoped3A_16, %mul3A_2] : memref<8x2048xf32, #tpu.memory_space<hbm>> -> memref<1x64xf32, #tpu.memory_space<hbm>>
      %dma_wait3A_1171 = tpu.memref_squeeze %dma_wait3A_1170 : memref<1x64xf32, #tpu.memory_space<hbm>> -> memref<64xf32, #tpu.memory_space<hbm>>
      tpu.wait_dma2 semaphore(%run_scoped3A_1153 : memref<!tpu.dma_semaphore, #tpu.memory_space<semaphore_mem>>) src(%dma_wait3A_1171 : memref<64xf32, #tpu.memory_space<hbm>>) dst(%dma_wait3A_1169 : memref<64xf32, #tpu.memory_space<vmem>>)
      tpu.yield
    }) : () -> ()
    %broadcast_in_dim3A = arith.constant 0.000000e+00 : f32
    %broadcast_in_dim3A_18 = vector.broadcast %broadcast_in_dim3A : f32 to vector<16xf32>
    %broadcast_in_dim3A_19 = arith.constant 0.000000e+00 : f32
    %broadcast_in_dim3A_20 = vector.broadcast %broadcast_in_dim3A_19 : f32 to vector<16xf32>
    %broadcast_in_dim3A_21 = arith.constant 0.000000e+00 : f32
    %broadcast_in_dim3A_22 = vector.broadcast %broadcast_in_dim3A_21 : f32 to vector<16xf32>
    %broadcast_in_dim3A_23 = arith.constant 0.000000e+00 : f32
    %broadcast_in_dim3A_24 = vector.broadcast %broadcast_in_dim3A_23 : f32 to vector<16xf32>
    %broadcast_in_dim3A_25 = arith.constant 0.000000e+00 : f32
    %broadcast_in_dim3A_26 = vector.broadcast %broadcast_in_dim3A_25 : f32 to vector<16xf32>
    %broadcast_in_dim3A_27 = arith.constant 0.000000e+00 : f32
    %broadcast_in_dim3A_28 = vector.broadcast %broadcast_in_dim3A_27 : f32 to vector<16xf32>
    %broadcast_in_dim3A_29 = arith.constant 0.000000e+00 : f32
    %broadcast_in_dim3A_30 = vector.broadcast %broadcast_in_dim3A_29 : f32 to vector<16xf32>
    %broadcast_in_dim3A_31 = arith.constant 0.000000e+00 : f32
    %broadcast_in_dim3A_32 = vector.broadcast %broadcast_in_dim3A_31 : f32 to vector<16xf32>
    %broadcast_in_dim3A_33 = arith.constant 1.000000e+00 : f32
    %broadcast_in_dim3A_34 = vector.broadcast %broadcast_in_dim3A_33 : f32 to vector<16xf32>
    %broadcast_in_dim3A_35 = arith.constant 0.000000e+00 : f32
    %broadcast_in_dim3A_36 = vector.broadcast %broadcast_in_dim3A_35 : f32 to vector<16xf32>
    %get3A = arith.constant 0 : i32
    %get3A_37 = arith.index_cast %get3A : i32 to index
    %get3A_38 = arith.constant 0 : index
    %get3A_39 = tpu.vector_load %arg4[%get3A_37, %get3A_38] {strides = array<i32>} : memref<8x64xf32, #tpu.memory_space<vmem>>, vector<1x16xf32>,
    %get3A_40 = vector.shape_cast %get3A_39 : vector<1x16xf32> to vector<16xf32>
    %get3A_41 = arith.constant 1 : i32
    %get3A_42 = arith.index_cast %get3A_41 : i32 to index
    %get3A_43 = arith.constant 0 : index
    %get3A_44 = tpu.vector_load %arg4[%get3A_42, %get3A_43] {strides = array<i32>} : memref<8x64xf32, #tpu.memory_space<vmem>>, vector<1x16xf32>,
    %get3A_45 = vector.shape_cast %get3A_44 : vector<1x16xf32> to vector<16xf32>
    %get3A_46 = arith.constant 2 : i32
    %get3A_47 = arith.index_cast %get3A_46 : i32 to index
    %get3A_48 = arith.constant 0 : index
    %get3A_49 = tpu.vector_load %arg4[%get3A_47, %get3A_48] {strides = array<i32>} : memref<8x64xf32, #tpu.memory_space<vmem>>, vector<1x16xf32>,
    %get3A_50 = vector.shape_cast %get3A_49 : vector<1x16xf32> to vector<16xf32>
    %get3A_51 = arith.constant 3 : i32
    %get3A_52 = arith.index_cast %get3A_51 : i32 to index
    %get3A_53 = arith.constant 0 : index
    %get3A_54 = tpu.vector_load %arg4[%get3A_52, %get3A_53] {strides = array<i32>} : memref<8x64xf32, #tpu.memory_space<vmem>>, vector<1x16xf32>,
    %get3A_55 = vector.shape_cast %get3A_54 : vector<1x16xf32> to vector<16xf32>
    %get3A_56 = arith.constant 4 : i32
    %get3A_57 = arith.index_cast %get3A_56 : i32 to index
    %get3A_58 = arith.constant 0 : index
    %get3A_59 = tpu.vector_load %arg4[%get3A_57, %get3A_58] {strides = array<i32>} : memref<8x64xf32, #tpu.memory_space<vmem>>, vector<1x16xf32>,
    %get3A_60 = vector.shape_cast %get3A_59 : vector<1x16xf32> to vector<16xf32>
    %get3A_61 = arith.constant 5 : i32
    %get3A_62 = arith.index_cast %get3A_61 : i32 to index
    %get3A_63 = arith.constant 0 : index
    %get3A_64 = tpu.vector_load %arg4[%get3A_62, %get3A_63] {strides = array<i32>} : memref<8x64xf32, #tpu.memory_space<vmem>>, vector<1x16xf32>,
    %get3A_65 = vector.shape_cast %get3A_64 : vector<1x16xf32> to vector<16xf32>
    %get3A_66 = arith.constant 6 : i32
    %get3A_67 = arith.index_cast %get3A_66 : i32 to index
    %get3A_68 = arith.constant 0 : index
    %get3A_69 = tpu.vector_load %arg4[%get3A_67, %get3A_68] {strides = array<i32>} : memref<8x64xf32, #tpu.memory_space<vmem>>, vector<1x16xf32>,
    %get3A_70 = vector.shape_cast %get3A_69 : vector<1x16xf32> to vector<16xf32>
    %get3A_71 = arith.constant 7 : i32
    %get3A_72 = arith.index_cast %get3A_71 : i32 to index
    %get3A_73 = arith.constant 0 : index
    %get3A_74 = tpu.vector_load %arg4[%get3A_72, %get3A_73] {strides = array<i32>} : memref<8x64xf32, #tpu.memory_space<vmem>>, vector<1x16xf32>,
    %get3A_75 = vector.shape_cast %get3A_74 : vector<1x16xf32> to vector<16xf32>
    %max3A = arith.maximumf %get3A_40, %get3A_45 : vector<16xf32>
    %max3A_76 = arith.maximumf %max3A, %get3A_50 : vector<16xf32>
    %max3A_77 = arith.maximumf %max3A_76, %get3A_55 : vector<16xf32>
    %max3A_78 = arith.maximumf %max3A_77, %get3A_60 : vector<16xf32>
    %max3A_79 = arith.maximumf %max3A_78, %get3A_65 : vector<16xf32>
    %max3A_80 = arith.maximumf %max3A_79, %get3A_70 : vector<16xf32>
    %max3A_81 = arith.maximumf %max3A_80, %get3A_75 : vector<16xf32>
    %broadcast_in_dim3A_82 = arith.constant 8 : i32
    %broadcast_in_dim3A_83 = vector.broadcast %broadcast_in_dim3A_82 : i32 to vector<16xi32>
    %eq3A = arith.cmpf oeq, %get3A_75, %max3A_81 : vector<16xf32>
    %jit3A = arith.constant 7 : i32
    %broadcast_in_dim3A_84 = vector.broadcast %jit3A : i32 to vector<16xi32>
    %select_n3A = arith.select %eq3A, %broadcast_in_dim3A_84, %broadcast_in_dim3A_83 : vector<16xi1>, vector<16xi32>
    %eq3A_85 = arith.cmpf oeq, %get3A_70, %max3A_81 : vector<16xf32>
    %jit3A_86 = arith.constant 6 : i32
    %broadcast_in_dim3A_87 = vector.broadcast %jit3A_86 : i32 to vector<16xi32>
    %select_n3A_88 = arith.select %eq3A_85, %broadcast_in_dim3A_87, %select_n3A : vector<16xi1>, vector<16xi32>
    %eq3A_89 = arith.cmpf oeq, %get3A_65, %max3A_81 : vector<16xf32>
    %jit3A_90 = arith.constant 5 : i32
    %broadcast_in_dim3A_91 = vector.broadcast %jit3A_90 : i32 to vector<16xi32>
    %select_n3A_92 = arith.select %eq3A_89, %broadcast_in_dim3A_91, %select_n3A_88 : vector<16xi1>, vector<16xi32>
    %eq3A_93 = arith.cmpf oeq, %get3A_60, %max3A_81 : vector<16xf32>
    %jit3A_94 = arith.constant 4 : i32
    %broadcast_in_dim3A_95 = vector.broadcast %jit3A_94 : i32 to vector<16xi32>
    %select_n3A_96 = arith.select %eq3A_93, %broadcast_in_dim3A_95, %select_n3A_92 : vector<16xi1>, vector<16xi32>
    %eq3A_97 = arith.cmpf oeq, %get3A_55, %max3A_81 : vector<16xf32>
    %jit3A_98 = arith.constant 3 : i32
    %broadcast_in_dim3A_99 = vector.broadcast %jit3A_98 : i32 to vector<16xi32>
    %select_n3A_100 = arith.select %eq3A_97, %broadcast_in_dim3A_99, %select_n3A_96 : vector<16xi1>, vector<16xi32>
    %eq3A_101 = arith.cmpf oeq, %get3A_50, %max3A_81 : vector<16xf32>
    %jit3A_102 = arith.constant 2 : i32
    %broadcast_in_dim3A_103 = vector.broadcast %jit3A_102 : i32 to vector<16xi32>
    %select_n3A_104 = arith.select %eq3A_101, %broadcast_in_dim3A_103, %select_n3A_100 : vector<16xi1>, vector<16xi32>
    %eq3A_105 = arith.cmpf oeq, %get3A_45, %max3A_81 : vector<16xf32>
    %jit3A_106 = arith.constant 1 : i32
    %broadcast_in_dim3A_107 = vector.broadcast %jit3A_106 : i32 to vector<16xi32>
    %select_n3A_108 = arith.select %eq3A_105, %broadcast_in_dim3A_107, %select_n3A_104 : vector<16xi1>, vector<16xi32>
    %eq3A_109 = arith.cmpf oeq, %get3A_40, %max3A_81 : vector<16xf32>
    %jit3A_110 = arith.constant 0 : i32
    %broadcast_in_dim3A_111 = vector.broadcast %jit3A_110 : i32 to vector<16xi32>
    %select_n3A_112 = arith.select %eq3A_109, %broadcast_in_dim3A_111, %select_n3A_108 : vector<16xi1>, vector<16xi32>
    %broadcast_in_dim3A_113 = arith.constant -3.000000e+38 : f32
    %broadcast_in_dim3A_114 = vector.broadcast %broadcast_in_dim3A_113 : f32 to vector<16xf32>
    %eq3A_115 = arith.constant 0 : i32
    %eq3A_116 = vector.broadcast %eq3A_115 : i32 to vector<16xi32>
    %eq3A_117 = arith.cmpi eq, %select_n3A_112, %eq3A_116 : vector<16xi32>
    %select_n3A_118 = arith.select %eq3A_117, %broadcast_in_dim3A_114, %get3A_40 : vector<16xi1>, vector<16xf32>
    %max3A_119 = arith.maximumf %broadcast_in_dim3A_114, %select_n3A_118 : vector<16xf32>
    %eq3A_120 = arith.constant 1 : i32
    %eq3A_121 = vector.broadcast %eq3A_120 : i32 to vector<16xi32>
    %eq3A_122 = arith.cmpi eq, %select_n3A_112, %eq3A_121 : vector<16xi32>
    %select_n3A_123 = arith.select %eq3A_122, %broadcast_in_dim3A_114, %get3A_45 : vector<16xi1>, vector<16xf32>
    %max3A_124 = arith.maximumf %max3A_119, %select_n3A_123 : vector<16xf32>
    %eq3A_125 = arith.constant 2 : i32
    %eq3A_126 = vector.broadcast %eq3A_125 : i32 to vector<16xi32>
    %eq3A_127 = arith.cmpi eq, %select_n3A_112, %eq3A_126 : vector<16xi32>
    %select_n3A_128 = arith.select %eq3A_127, %broadcast_in_dim3A_114, %get3A_50 : vector<16xi1>, vector<16xf32>
    %max3A_129 = arith.maximumf %max3A_124, %select_n3A_128 : vector<16xf32>
    %eq3A_130 = arith.constant 3 : i32
    %eq3A_131 = vector.broadcast %eq3A_130 : i32 to vector<16xi32>
    %eq3A_132 = arith.cmpi eq, %select_n3A_112, %eq3A_131 : vector<16xi32>
    %select_n3A_133 = arith.select %eq3A_132, %broadcast_in_dim3A_114, %get3A_55 : vector<16xi1>, vector<16xf32>
    %max3A_134 = arith.maximumf %max3A_129, %select_n3A_133 : vector<16xf32>
    %eq3A_135 = arith.constant 4 : i32
    %eq3A_136 = vector.broadcast %eq3A_135 : i32 to vector<16xi32>
    %eq3A_137 = arith.cmpi eq, %select_n3A_112, %eq3A_136 : vector<16xi32>
    %select_n3A_138 = arith.select %eq3A_137, %broadcast_in_dim3A_114, %get3A_60 : vector<16xi1>, vector<16xf32>
    %max3A_139 = arith.maximumf %max3A_134, %select_n3A_138 : vector<16xf32>
    %eq3A_140 = arith.constant 5 : i32
    %eq3A_141 = vector.broadcast %eq3A_140 : i32 to vector<16xi32>
    %eq3A_142 = arith.cmpi eq, %select_n3A_112, %eq3A_141 : vector<16xi32>
    %select_n3A_143 = arith.select %eq3A_142, %broadcast_in_dim3A_114, %get3A_65 : vector<16xi1>, vector<16xf32>
    %max3A_144 = arith.maximumf %max3A_139, %select_n3A_143 : vector<16xf32>
    %eq3A_145 = arith.constant 6 : i32
    %eq3A_146 = vector.broadcast %eq3A_145 : i32 to vector<16xi32>
    %eq3A_147 = arith.cmpi eq, %select_n3A_112, %eq3A_146 : vector<16xi32>
    %select_n3A_148 = arith.select %eq3A_147, %broadcast_in_dim3A_114, %get3A_70 : vector<16xi1>, vector<16xf32>
    %max3A_149 = arith.maximumf %max3A_144, %select_n3A_148 : vector<16xf32>
    %eq3A_150 = arith.constant 7 : i32
    %eq3A_151 = vector.broadcast %eq3A_150 : i32 to vector<16xi32>
    %eq3A_152 = arith.cmpi eq, %select_n3A_112, %eq3A_151 : vector<16xi32>
    %select_n3A_153 = arith.select %eq3A_152, %broadcast_in_dim3A_114, %get3A_75 : vector<16xi1>, vector<16xf32>
    %max3A_154 = arith.maximumf %max3A_149, %select_n3A_153 : vector<16xf32>
    %broadcast_in_dim3A_155 = arith.constant 8 : i32
    %broadcast_in_dim3A_156 = vector.broadcast %broadcast_in_dim3A_155 : i32 to vector<16xi32>
    %eq3A_157 = arith.cmpf oeq, %get3A_75, %max3A_154 : vector<16xf32>
    %ne3A = arith.constant 7 : i32
    %ne3A_158 = vector.broadcast %ne3A : i32 to vector<16xi32>
    %ne3A_159 = arith.cmpi ne, %select_n3A_112, %ne3A_158 : vector<16xi32>
    %and3A = arith.andi %eq3A_157, %ne3A_159 : vector<16xi1>
    %jit3A_160 = arith.constant 7 : i32
    %broadcast_in_dim3A_161 = vector.broadcast %jit3A_160 : i32 to vector<16xi32>
    %select_n3A_162 = arith.select %and3A, %broadcast_in_dim3A_161, %broadcast_in_dim3A_156 : vector<16xi1>, vector<16xi32>
    %eq3A_163 = arith.cmpf oeq, %get3A_70, %max3A_154 : vector<16xf32>
    %ne3A_164 = arith.constant 6 : i32
    %ne3A_165 = vector.broadcast %ne3A_164 : i32 to vector<16xi32>
    %ne3A_166 = arith.cmpi ne, %select_n3A_112, %ne3A_165 : vector<16xi32>
    %and3A_167 = arith.andi %eq3A_163, %ne3A_166 : vector<16xi1>
    %jit3A_168 = arith.constant 6 : i32
    %broadcast_in_dim3A_169 = vector.broadcast %jit3A_168 : i32 to vector<16xi32>
    %select_n3A_170 = arith.select %and3A_167, %broadcast_in_dim3A_169, %select_n3A_162 : vector<16xi1>, vector<16xi32>
    %eq3A_171 = arith.cmpf oeq, %get3A_65, %max3A_154 : vector<16xf32>
    %ne3A_172 = arith.constant 5 : i32
    %ne3A_173 = vector.broadcast %ne3A_172 : i32 to vector<16xi32>
    %ne3A_174 = arith.cmpi ne, %select_n3A_112, %ne3A_173 : vector<16xi32>
    %and3A_175 = arith.andi %eq3A_171, %ne3A_174 : vector<16xi1>
    %jit3A_176 = arith.constant 5 : i32
    %broadcast_in_dim3A_177 = vector.broadcast %jit3A_176 : i32 to vector<16xi32>
    %select_n3A_178 = arith.select %and3A_175, %broadcast_in_dim3A_177, %select_n3A_170 : vector<16xi1>, vector<16xi32>
    %eq3A_179 = arith.cmpf oeq, %get3A_60, %max3A_154 : vector<16xf32>
    %ne3A_180 = arith.constant 4 : i32
    %ne3A_181 = vector.broadcast %ne3A_180 : i32 to vector<16xi32>
    %ne3A_182 = arith.cmpi ne, %select_n3A_112, %ne3A_181 : vector<16xi32>
    %and3A_183 = arith.andi %eq3A_179, %ne3A_182 : vector<16xi1>
    %jit3A_184 = arith.constant 4 : i32
    %broadcast_in_dim3A_185 = vector.broadcast %jit3A_184 : i32 to vector<16xi32>
    %select_n3A_186 = arith.select %and3A_183, %broadcast_in_dim3A_185, %select_n3A_178 : vector<16xi1>, vector<16xi32>
    %eq3A_187 = arith.cmpf oeq, %get3A_55, %max3A_154 : vector<16xf32>
    %ne3A_188 = arith.constant 3 : i32
    %ne3A_189 = vector.broadcast %ne3A_188 : i32 to vector<16xi32>
    %ne3A_190 = arith.cmpi ne, %select_n3A_112, %ne3A_189 : vector<16xi32>
    %and3A_191 = arith.andi %eq3A_187, %ne3A_190 : vector<16xi1>
    %jit3A_192 = arith.constant 3 : i32
    %broadcast_in_dim3A_193 = vector.broadcast %jit3A_192 : i32 to vector<16xi32>
    %select_n3A_194 = arith.select %and3A_191, %broadcast_in_dim3A_193, %select_n3A_186 : vector<16xi1>, vector<16xi32>
    %eq3A_195 = arith.cmpf oeq, %get3A_50, %max3A_154 : vector<16xf32>
    %ne3A_196 = arith.constant 2 : i32
    %ne3A_197 = vector.broadcast %ne3A_196 : i32 to vector<16xi32>
    %ne3A_198 = arith.cmpi ne, %select_n3A_112, %ne3A_197 : vector<16xi32>
    %and3A_199 = arith.andi %eq3A_195, %ne3A_198 : vector<16xi1>
    %jit3A_200 = arith.constant 2 : i32
    %broadcast_in_dim3A_201 = vector.broadcast %jit3A_200 : i32 to vector<16xi32>
    %select_n3A_202 = arith.select %and3A_199, %broadcast_in_dim3A_201, %select_n3A_194 : vector<16xi1>, vector<16xi32>
    %eq3A_203 = arith.cmpf oeq, %get3A_45, %max3A_154 : vector<16xf32>
    %ne3A_204 = arith.constant 1 : i32
    %ne3A_205 = vector.broadcast %ne3A_204 : i32 to vector<16xi32>
    %ne3A_206 = arith.cmpi ne, %select_n3A_112, %ne3A_205 : vector<16xi32>
    %and3A_207 = arith.andi %eq3A_203, %ne3A_206 : vector<16xi1>
    %jit3A_208 = arith.constant 1 : i32
    %broadcast_in_dim3A_209 = vector.broadcast %jit3A_208 : i32 to vector<16xi32>
    %select_n3A_210 = arith.select %and3A_207, %broadcast_in_dim3A_209, %select_n3A_202 : vector<16xi1>, vector<16xi32>
    %eq3A_211 = arith.cmpf oeq, %get3A_40, %max3A_154 : vector<16xf32>
    %ne3A_212 = arith.constant 0 : i32
    %ne3A_213 = vector.broadcast %ne3A_212 : i32 to vector<16xi32>
    %ne3A_214 = arith.cmpi ne, %select_n3A_112, %ne3A_213 : vector<16xi32>
    %and3A_215 = arith.andi %eq3A_211, %ne3A_214 : vector<16xi1>
    %jit3A_216 = arith.constant 0 : i32
    %broadcast_in_dim3A_217 = vector.broadcast %jit3A_216 : i32 to vector<16xi32>
    %select_n3A_218 = arith.select %and3A_215, %broadcast_in_dim3A_217, %select_n3A_210 : vector<16xi1>, vector<16xi32>
    %eq3A_219 = arith.constant 0 : i32
    %eq3A_220 = vector.broadcast %eq3A_219 : i32 to vector<16xi32>
    %eq3A_221 = arith.cmpi eq, %select_n3A_112, %eq3A_220 : vector<16xi32>
    %select_n3A_222 = arith.select %eq3A_221, %broadcast_in_dim3A_34, %broadcast_in_dim3A_36 : vector<16xi1>, vector<16xf32>
    %add3A_223 = arith.addf %broadcast_in_dim3A_18, %select_n3A_222 : vector<16xf32>
    %eq3A_224 = arith.constant 0 : i32
    %eq3A_225 = vector.broadcast %eq3A_224 : i32 to vector<16xi32>
    %eq3A_226 = arith.cmpi eq, %select_n3A_218, %eq3A_225 : vector<16xi32>
    %select_n3A_227 = arith.select %eq3A_226, %broadcast_in_dim3A_34, %broadcast_in_dim3A_36 : vector<16xi1>, vector<16xf32>
    %add3A_228 = arith.addf %add3A_223, %select_n3A_227 : vector<16xf32>
    %eq3A_229 = arith.constant 1 : i32
    %eq3A_230 = vector.broadcast %eq3A_229 : i32 to vector<16xi32>
    %eq3A_231 = arith.cmpi eq, %select_n3A_112, %eq3A_230 : vector<16xi32>
    %select_n3A_232 = arith.select %eq3A_231, %broadcast_in_dim3A_34, %broadcast_in_dim3A_36 : vector<16xi1>, vector<16xf32>
    %add3A_233 = arith.addf %broadcast_in_dim3A_20, %select_n3A_232 : vector<16xf32>
    %eq3A_234 = arith.constant 1 : i32
    %eq3A_235 = vector.broadcast %eq3A_234 : i32 to vector<16xi32>
    %eq3A_236 = arith.cmpi eq, %select_n3A_218, %eq3A_235 : vector<16xi32>
    %select_n3A_237 = arith.select %eq3A_236, %broadcast_in_dim3A_34, %broadcast_in_dim3A_36 : vector<16xi1>, vector<16xf32>
    %add3A_238 = arith.addf %add3A_233, %select_n3A_237 : vector<16xf32>
    %eq3A_239 = arith.constant 2 : i32
    %eq3A_240 = vector.broadcast %eq3A_239 : i32 to vector<16xi32>
    %eq3A_241 = arith.cmpi eq, %select_n3A_112, %eq3A_240 : vector<16xi32>
    %select_n3A_242 = arith.select %eq3A_241, %broadcast_in_dim3A_34, %broadcast_in_dim3A_36 : vector<16xi1>, vector<16xf32>
    %add3A_243 = arith.addf %broadcast_in_dim3A_22, %select_n3A_242 : vector<16xf32>
    %eq3A_244 = arith.constant 2 : i32
    %eq3A_245 = vector.broadcast %eq3A_244 : i32 to vector<16xi32>
    %eq3A_246 = arith.cmpi eq, %select_n3A_218, %eq3A_245 : vector<16xi32>
    %select_n3A_247 = arith.select %eq3A_246, %broadcast_in_dim3A_34, %broadcast_in_dim3A_36 : vector<16xi1>, vector<16xf32>
    %add3A_248 = arith.addf %add3A_243, %select_n3A_247 : vector<16xf32>
    %eq3A_249 = arith.constant 3 : i32
    %eq3A_250 = vector.broadcast %eq3A_249 : i32 to vector<16xi32>
    %eq3A_251 = arith.cmpi eq, %select_n3A_112, %eq3A_250 : vector<16xi32>
    %select_n3A_252 = arith.select %eq3A_251, %broadcast_in_dim3A_34, %broadcast_in_dim3A_36 : vector<16xi1>, vector<16xf32>
    %add3A_253 = arith.addf %broadcast_in_dim3A_24, %select_n3A_252 : vector<16xf32>
    %eq3A_254 = arith.constant 3 : i32
    %eq3A_255 = vector.broadcast %eq3A_254 : i32 to vector<16xi32>
    %eq3A_256 = arith.cmpi eq, %select_n3A_218, %eq3A_255 : vector<16xi32>
    %select_n3A_257 = arith.select %eq3A_256, %broadcast_in_dim3A_34, %broadcast_in_dim3A_36 : vector<16xi1>, vector<16xf32>
    %add3A_258 = arith.addf %add3A_253, %select_n3A_257 : vector<16xf32>
    %eq3A_259 = arith.constant 4 : i32
    %eq3A_260 = vector.broadcast %eq3A_259 : i32 to vector<16xi32>
    %eq3A_261 = arith.cmpi eq, %select_n3A_112, %eq3A_260 : vector<16xi32>
    %select_n3A_262 = arith.select %eq3A_261, %broadcast_in_dim3A_34, %broadcast_in_dim3A_36 : vector<16xi1>, vector<16xf32>
    %add3A_263 = arith.addf %broadcast_in_dim3A_26, %select_n3A_262 : vector<16xf32>
    %eq3A_264 = arith.constant 4 : i32
    %eq3A_265 = vector.broadcast %eq3A_264 : i32 to vector<16xi32>
    %eq3A_266 = arith.cmpi eq, %select_n3A_218, %eq3A_265 : vector<16xi32>
    %select_n3A_267 = arith.select %eq3A_266, %broadcast_in_dim3A_34, %broadcast_in_dim3A_36 : vector<16xi1>, vector<16xf32>
    %add3A_268 = arith.addf %add3A_263, %select_n3A_267 : vector<16xf32>
    %eq3A_269 = arith.constant 5 : i32
    %eq3A_270 = vector.broadcast %eq3A_269 : i32 to vector<16xi32>
    %eq3A_271 = arith.cmpi eq, %select_n3A_112, %eq3A_270 : vector<16xi32>
    %select_n3A_272 = arith.select %eq3A_271, %broadcast_in_dim3A_34, %broadcast_in_dim3A_36 : vector<16xi1>, vector<16xf32>
    %add3A_273 = arith.addf %broadcast_in_dim3A_28, %select_n3A_272 : vector<16xf32>
    %eq3A_274 = arith.constant 5 : i32
    %eq3A_275 = vector.broadcast %eq3A_274 : i32 to vector<16xi32>
    %eq3A_276 = arith.cmpi eq, %select_n3A_218, %eq3A_275 : vector<16xi32>
    %select_n3A_277 = arith.select %eq3A_276, %broadcast_in_dim3A_34, %broadcast_in_dim3A_36 : vector<16xi1>, vector<16xf32>
    %add3A_278 = arith.addf %add3A_273, %select_n3A_277 : vector<16xf32>
    %eq3A_279 = arith.constant 6 : i32
    %eq3A_280 = vector.broadcast %eq3A_279 : i32 to vector<16xi32>
    %eq3A_281 = arith.cmpi eq, %select_n3A_112, %eq3A_280 : vector<16xi32>
    %select_n3A_282 = arith.select %eq3A_281, %broadcast_in_dim3A_34, %broadcast_in_dim3A_36 : vector<16xi1>, vector<16xf32>
    %add3A_283 = arith.addf %broadcast_in_dim3A_30, %select_n3A_282 : vector<16xf32>
    %eq3A_284 = arith.constant 6 : i32
    %eq3A_285 = vector.broadcast %eq3A_284 : i32 to vector<16xi32>
    %eq3A_286 = arith.cmpi eq, %select_n3A_218, %eq3A_285 : vector<16xi32>
    %select_n3A_287 = arith.select %eq3A_286, %broadcast_in_dim3A_34, %broadcast_in_dim3A_36 : vector<16xi1>, vector<16xf32>
    %add3A_288 = arith.addf %add3A_283, %select_n3A_287 : vector<16xf32>
    %eq3A_289 = arith.constant 7 : i32
    %eq3A_290 = vector.broadcast %eq3A_289 : i32 to vector<16xi32>
    %eq3A_291 = arith.cmpi eq, %select_n3A_112, %eq3A_290 : vector<16xi32>
    %select_n3A_292 = arith.select %eq3A_291, %broadcast_in_dim3A_34, %broadcast_in_dim3A_36 : vector<16xi1>, vector<16xf32>
    %add3A_293 = arith.addf %broadcast_in_dim3A_32, %select_n3A_292 : vector<16xf32>
    %eq3A_294 = arith.constant 7 : i32
    %eq3A_295 = vector.broadcast %eq3A_294 : i32 to vector<16xi32>
    %eq3A_296 = arith.cmpi eq, %select_n3A_218, %eq3A_295 : vector<16xi32>
    %select_n3A_297 = arith.select %eq3A_296, %broadcast_in_dim3A_34, %broadcast_in_dim3A_36 : vector<16xi1>, vector<16xf32>
    %add3A_298 = arith.addf %add3A_293, %select_n3A_297 : vector<16xf32>
    %get3A_299 = arith.constant 0 : i32
    %get3A_300 = arith.index_cast %get3A_299 : i32 to index
    %get3A_301 = arith.constant 16 : index
    %get3A_302 = tpu.vector_load %arg4[%get3A_300, %get3A_301] {strides = array<i32>} : memref<8x64xf32, #tpu.memory_space<vmem>>, vector<1x16xf32>,
    %get3A_303 = vector.shape_cast %get3A_302 : vector<1x16xf32> to vector<16xf32>
    %get3A_304 = arith.constant 1 : i32
    %get3A_305 = arith.index_cast %get3A_304 : i32 to index
    %get3A_306 = arith.constant 16 : index
    %get3A_307 = tpu.vector_load %arg4[%get3A_305, %get3A_306] {strides = array<i32>} : memref<8x64xf32, #tpu.memory_space<vmem>>, vector<1x16xf32>,
    %get3A_308 = vector.shape_cast %get3A_307 : vector<1x16xf32> to vector<16xf32>
    %get3A_309 = arith.constant 2 : i32
    %get3A_310 = arith.index_cast %get3A_309 : i32 to index
    %get3A_311 = arith.constant 16 : index
    %get3A_312 = tpu.vector_load %arg4[%get3A_310, %get3A_311] {strides = array<i32>} : memref<8x64xf32, #tpu.memory_space<vmem>>, vector<1x16xf32>,
    %get3A_313 = vector.shape_cast %get3A_312 : vector<1x16xf32> to vector<16xf32>
    %get3A_314 = arith.constant 3 : i32
    %get3A_315 = arith.index_cast %get3A_314 : i32 to index
    %get3A_316 = arith.constant 16 : index
    %get3A_317 = tpu.vector_load %arg4[%get3A_315, %get3A_316] {strides = array<i32>} : memref<8x64xf32, #tpu.memory_space<vmem>>, vector<1x16xf32>,
    %get3A_318 = vector.shape_cast %get3A_317 : vector<1x16xf32> to vector<16xf32>
    %get3A_319 = arith.constant 4 : i32
    %get3A_320 = arith.index_cast %get3A_319 : i32 to index
    %get3A_321 = arith.constant 16 : index
    %get3A_322 = tpu.vector_load %arg4[%get3A_320, %get3A_321] {strides = array<i32>} : memref<8x64xf32, #tpu.memory_space<vmem>>, vector<1x16xf32>,
    %get3A_323 = vector.shape_cast %get3A_322 : vector<1x16xf32> to vector<16xf32>
    %get3A_324 = arith.constant 5 : i32
    %get3A_325 = arith.index_cast %get3A_324 : i32 to index
    %get3A_326 = arith.constant 16 : index
    %get3A_327 = tpu.vector_load %arg4[%get3A_325, %get3A_326] {strides = array<i32>} : memref<8x64xf32, #tpu.memory_space<vmem>>, vector<1x16xf32>,
    %get3A_328 = vector.shape_cast %get3A_327 : vector<1x16xf32> to vector<16xf32>
    %get3A_329 = arith.constant 6 : i32
    %get3A_330 = arith.index_cast %get3A_329 : i32 to index
    %get3A_331 = arith.constant 16 : index
    %get3A_332 = tpu.vector_load %arg4[%get3A_330, %get3A_331] {strides = array<i32>} : memref<8x64xf32, #tpu.memory_space<vmem>>, vector<1x16xf32>,
    %get3A_333 = vector.shape_cast %get3A_332 : vector<1x16xf32> to vector<16xf32>
    %get3A_334 = arith.constant 7 : i32
    %get3A_335 = arith.index_cast %get3A_334 : i32 to index
    %get3A_336 = arith.constant 16 : index
    %get3A_337 = tpu.vector_load %arg4[%get3A_335, %get3A_336] {strides = array<i32>} : memref<8x64xf32, #tpu.memory_space<vmem>>, vector<1x16xf32>,
    %get3A_338 = vector.shape_cast %get3A_337 : vector<1x16xf32> to vector<16xf32>
    %max3A_339 = arith.maximumf %get3A_303, %get3A_308 : vector<16xf32>
    %max3A_340 = arith.maximumf %max3A_339, %get3A_313 : vector<16xf32>
    %max3A_341 = arith.maximumf %max3A_340, %get3A_318 : vector<16xf32>
    %max3A_342 = arith.maximumf %max3A_341, %get3A_323 : vector<16xf32>
    %max3A_343 = arith.maximumf %max3A_342, %get3A_328 : vector<16xf32>
    %max3A_344 = arith.maximumf %max3A_343, %get3A_333 : vector<16xf32>
    %max3A_345 = arith.maximumf %max3A_344, %get3A_338 : vector<16xf32>
    %broadcast_in_dim3A_346 = arith.constant 8 : i32
    %broadcast_in_dim3A_347 = vector.broadcast %broadcast_in_dim3A_346 : i32 to vector<16xi32>
    %eq3A_348 = arith.cmpf oeq, %get3A_338, %max3A_345 : vector<16xf32>
    %jit3A_349 = arith.constant 7 : i32
    %broadcast_in_dim3A_350 = vector.broadcast %jit3A_349 : i32 to vector<16xi32>
    %select_n3A_351 = arith.select %eq3A_348, %broadcast_in_dim3A_350, %broadcast_in_dim3A_347 : vector<16xi1>, vector<16xi32>
    %eq3A_352 = arith.cmpf oeq, %get3A_333, %max3A_345 : vector<16xf32>
    %jit3A_353 = arith.constant 6 : i32
    %broadcast_in_dim3A_354 = vector.broadcast %jit3A_353 : i32 to vector<16xi32>
    %select_n3A_355 = arith.select %eq3A_352, %broadcast_in_dim3A_354, %select_n3A_351 : vector<16xi1>, vector<16xi32>
    %eq3A_356 = arith.cmpf oeq, %get3A_328, %max3A_345 : vector<16xf32>
    %jit3A_357 = arith.constant 5 : i32
    %broadcast_in_dim3A_358 = vector.broadcast %jit3A_357 : i32 to vector<16xi32>
    %select_n3A_359 = arith.select %eq3A_356, %broadcast_in_dim3A_358, %select_n3A_355 : vector<16xi1>, vector<16xi32>
    %eq3A_360 = arith.cmpf oeq, %get3A_323, %max3A_345 : vector<16xf32>
    %jit3A_361 = arith.constant 4 : i32
    %broadcast_in_dim3A_362 = vector.broadcast %jit3A_361 : i32 to vector<16xi32>
    %select_n3A_363 = arith.select %eq3A_360, %broadcast_in_dim3A_362, %select_n3A_359 : vector<16xi1>, vector<16xi32>
    %eq3A_364 = arith.cmpf oeq, %get3A_318, %max3A_345 : vector<16xf32>
    %jit3A_365 = arith.constant 3 : i32
    %broadcast_in_dim3A_366 = vector.broadcast %jit3A_365 : i32 to vector<16xi32>
    %select_n3A_367 = arith.select %eq3A_364, %broadcast_in_dim3A_366, %select_n3A_363 : vector<16xi1>, vector<16xi32>
    %eq3A_368 = arith.cmpf oeq, %get3A_313, %max3A_345 : vector<16xf32>
    %jit3A_369 = arith.constant 2 : i32
    %broadcast_in_dim3A_370 = vector.broadcast %jit3A_369 : i32 to vector<16xi32>
    %select_n3A_371 = arith.select %eq3A_368, %broadcast_in_dim3A_370, %select_n3A_367 : vector<16xi1>, vector<16xi32>
    %eq3A_372 = arith.cmpf oeq, %get3A_308, %max3A_345 : vector<16xf32>
    %jit3A_373 = arith.constant 1 : i32
    %broadcast_in_dim3A_374 = vector.broadcast %jit3A_373 : i32 to vector<16xi32>
    %select_n3A_375 = arith.select %eq3A_372, %broadcast_in_dim3A_374, %select_n3A_371 : vector<16xi1>, vector<16xi32>
    %eq3A_376 = arith.cmpf oeq, %get3A_303, %max3A_345 : vector<16xf32>
    %jit3A_377 = arith.constant 0 : i32
    %broadcast_in_dim3A_378 = vector.broadcast %jit3A_377 : i32 to vector<16xi32>
    %select_n3A_379 = arith.select %eq3A_376, %broadcast_in_dim3A_378, %select_n3A_375 : vector<16xi1>, vector<16xi32>
    %broadcast_in_dim3A_380 = arith.constant -3.000000e+38 : f32
    %broadcast_in_dim3A_381 = vector.broadcast %broadcast_in_dim3A_380 : f32 to vector<16xf32>
    %eq3A_382 = arith.constant 0 : i32
    %eq3A_383 = vector.broadcast %eq3A_382 : i32 to vector<16xi32>
    %eq3A_384 = arith.cmpi eq, %select_n3A_379, %eq3A_383 : vector<16xi32>
    %select_n3A_385 = arith.select %eq3A_384, %broadcast_in_dim3A_381, %get3A_303 : vector<16xi1>, vector<16xf32>
    %max3A_386 = arith.maximumf %broadcast_in_dim3A_381, %select_n3A_385 : vector<16xf32>
    %eq3A_387 = arith.constant 1 : i32
    %eq3A_388 = vector.broadcast %eq3A_387 : i32 to vector<16xi32>
    %eq3A_389 = arith.cmpi eq, %select_n3A_379, %eq3A_388 : vector<16xi32>
    %select_n3A_390 = arith.select %eq3A_389, %broadcast_in_dim3A_381, %get3A_308 : vector<16xi1>, vector<16xf32>
    %max3A_391 = arith.maximumf %max3A_386, %select_n3A_390 : vector<16xf32>
    %eq3A_392 = arith.constant 2 : i32
    %eq3A_393 = vector.broadcast %eq3A_392 : i32 to vector<16xi32>
    %eq3A_394 = arith.cmpi eq, %select_n3A_379, %eq3A_393 : vector<16xi32>
    %select_n3A_395 = arith.select %eq3A_394, %broadcast_in_dim3A_381, %get3A_313 : vector<16xi1>, vector<16xf32>
    %max3A_396 = arith.maximumf %max3A_391, %select_n3A_395 : vector<16xf32>
    %eq3A_397 = arith.constant 3 : i32
    %eq3A_398 = vector.broadcast %eq3A_397 : i32 to vector<16xi32>
    %eq3A_399 = arith.cmpi eq, %select_n3A_379, %eq3A_398 : vector<16xi32>
    %select_n3A_400 = arith.select %eq3A_399, %broadcast_in_dim3A_381, %get3A_318 : vector<16xi1>, vector<16xf32>
    %max3A_401 = arith.maximumf %max3A_396, %select_n3A_400 : vector<16xf32>
    %eq3A_402 = arith.constant 4 : i32
    %eq3A_403 = vector.broadcast %eq3A_402 : i32 to vector<16xi32>
    %eq3A_404 = arith.cmpi eq, %select_n3A_379, %eq3A_403 : vector<16xi32>
    %select_n3A_405 = arith.select %eq3A_404, %broadcast_in_dim3A_381, %get3A_323 : vector<16xi1>, vector<16xf32>
    %max3A_406 = arith.maximumf %max3A_401, %select_n3A_405 : vector<16xf32>
    %eq3A_407 = arith.constant 5 : i32
    %eq3A_408 = vector.broadcast %eq3A_407 : i32 to vector<16xi32>
    %eq3A_409 = arith.cmpi eq, %select_n3A_379, %eq3A_408 : vector<16xi32>
    %select_n3A_410 = arith.select %eq3A_409, %broadcast_in_dim3A_381, %get3A_328 : vector<16xi1>, vector<16xf32>
    %max3A_411 = arith.maximumf %max3A_406, %select_n3A_410 : vector<16xf32>
    %eq3A_412 = arith.constant 6 : i32
    %eq3A_413 = vector.broadcast %eq3A_412 : i32 to vector<16xi32>
    %eq3A_414 = arith.cmpi eq, %select_n3A_379, %eq3A_413 : vector<16xi32>
    %select_n3A_415 = arith.select %eq3A_414, %broadcast_in_dim3A_381, %get3A_333 : vector<16xi1>, vector<16xf32>
    %max3A_416 = arith.maximumf %max3A_411, %select_n3A_415 : vector<16xf32>
    %eq3A_417 = arith.constant 7 : i32
    %eq3A_418 = vector.broadcast %eq3A_417 : i32 to vector<16xi32>
    %eq3A_419 = arith.cmpi eq, %select_n3A_379, %eq3A_418 : vector<16xi32>
    %select_n3A_420 = arith.select %eq3A_419, %broadcast_in_dim3A_381, %get3A_338 : vector<16xi1>, vector<16xf32>
    %max3A_421 = arith.maximumf %max3A_416, %select_n3A_420 : vector<16xf32>
    %broadcast_in_dim3A_422 = arith.constant 8 : i32
    %broadcast_in_dim3A_423 = vector.broadcast %broadcast_in_dim3A_422 : i32 to vector<16xi32>
    %eq3A_424 = arith.cmpf oeq, %get3A_338, %max3A_421 : vector<16xf32>
    %ne3A_425 = arith.constant 7 : i32
    %ne3A_426 = vector.broadcast %ne3A_425 : i32 to vector<16xi32>
    %ne3A_427 = arith.cmpi ne, %select_n3A_379, %ne3A_426 : vector<16xi32>
    %and3A_428 = arith.andi %eq3A_424, %ne3A_427 : vector<16xi1>
    %jit3A_429 = arith.constant 7 : i32
    %broadcast_in_dim3A_430 = vector.broadcast %jit3A_429 : i32 to vector<16xi32>
    %select_n3A_431 = arith.select %and3A_428, %broadcast_in_dim3A_430, %broadcast_in_dim3A_423 : vector<16xi1>, vector<16xi32>
    %eq3A_432 = arith.cmpf oeq, %get3A_333, %max3A_421 : vector<16xf32>
    %ne3A_433 = arith.constant 6 : i32
    %ne3A_434 = vector.broadcast %ne3A_433 : i32 to vector<16xi32>
    %ne3A_435 = arith.cmpi ne, %select_n3A_379, %ne3A_434 : vector<16xi32>
    %and3A_436 = arith.andi %eq3A_432, %ne3A_435 : vector<16xi1>
    %jit3A_437 = arith.constant 6 : i32
    %broadcast_in_dim3A_438 = vector.broadcast %jit3A_437 : i32 to vector<16xi32>
    %select_n3A_439 = arith.select %and3A_436, %broadcast_in_dim3A_438, %select_n3A_431 : vector<16xi1>, vector<16xi32>
    %eq3A_440 = arith.cmpf oeq, %get3A_328, %max3A_421 : vector<16xf32>
    %ne3A_441 = arith.constant 5 : i32
    %ne3A_442 = vector.broadcast %ne3A_441 : i32 to vector<16xi32>
    %ne3A_443 = arith.cmpi ne, %select_n3A_379, %ne3A_442 : vector<16xi32>
    %and3A_444 = arith.andi %eq3A_440, %ne3A_443 : vector<16xi1>
    %jit3A_445 = arith.constant 5 : i32
    %broadcast_in_dim3A_446 = vector.broadcast %jit3A_445 : i32 to vector<16xi32>
    %select_n3A_447 = arith.select %and3A_444, %broadcast_in_dim3A_446, %select_n3A_439 : vector<16xi1>, vector<16xi32>
    %eq3A_448 = arith.cmpf oeq, %get3A_323, %max3A_421 : vector<16xf32>
    %ne3A_449 = arith.constant 4 : i32
    %ne3A_450 = vector.broadcast %ne3A_449 : i32 to vector<16xi32>
    %ne3A_451 = arith.cmpi ne, %select_n3A_379, %ne3A_450 : vector<16xi32>
    %and3A_452 = arith.andi %eq3A_448, %ne3A_451 : vector<16xi1>
    %jit3A_453 = arith.constant 4 : i32
    %broadcast_in_dim3A_454 = vector.broadcast %jit3A_453 : i32 to vector<16xi32>
    %select_n3A_455 = arith.select %and3A_452, %broadcast_in_dim3A_454, %select_n3A_447 : vector<16xi1>, vector<16xi32>
    %eq3A_456 = arith.cmpf oeq, %get3A_318, %max3A_421 : vector<16xf32>
    %ne3A_457 = arith.constant 3 : i32
    %ne3A_458 = vector.broadcast %ne3A_457 : i32 to vector<16xi32>
    %ne3A_459 = arith.cmpi ne, %select_n3A_379, %ne3A_458 : vector<16xi32>
    %and3A_460 = arith.andi %eq3A_456, %ne3A_459 : vector<16xi1>
    %jit3A_461 = arith.constant 3 : i32
    %broadcast_in_dim3A_462 = vector.broadcast %jit3A_461 : i32 to vector<16xi32>
    %select_n3A_463 = arith.select %and3A_460, %broadcast_in_dim3A_462, %select_n3A_455 : vector<16xi1>, vector<16xi32>
    %eq3A_464 = arith.cmpf oeq, %get3A_313, %max3A_421 : vector<16xf32>
    %ne3A_465 = arith.constant 2 : i32
    %ne3A_466 = vector.broadcast %ne3A_465 : i32 to vector<16xi32>
    %ne3A_467 = arith.cmpi ne, %select_n3A_379, %ne3A_466 : vector<16xi32>
    %and3A_468 = arith.andi %eq3A_464, %ne3A_467 : vector<16xi1>
    %jit3A_469 = arith.constant 2 : i32
    %broadcast_in_dim3A_470 = vector.broadcast %jit3A_469 : i32 to vector<16xi32>
    %select_n3A_471 = arith.select %and3A_468, %broadcast_in_dim3A_470, %select_n3A_463 : vector<16xi1>, vector<16xi32>
    %eq3A_472 = arith.cmpf oeq, %get3A_308, %max3A_421 : vector<16xf32>
    %ne3A_473 = arith.constant 1 : i32
    %ne3A_474 = vector.broadcast %ne3A_473 : i32 to vector<16xi32>
    %ne3A_475 = arith.cmpi ne, %select_n3A_379, %ne3A_474 : vector<16xi32>
    %and3A_476 = arith.andi %eq3A_472, %ne3A_475 : vector<16xi1>
    %jit3A_477 = arith.constant 1 : i32
    %broadcast_in_dim3A_478 = vector.broadcast %jit3A_477 : i32 to vector<16xi32>
    %select_n3A_479 = arith.select %and3A_476, %broadcast_in_dim3A_478, %select_n3A_471 : vector<16xi1>, vector<16xi32>
    %eq3A_480 = arith.cmpf oeq, %get3A_303, %max3A_421 : vector<16xf32>
    %ne3A_481 = arith.constant 0 : i32
    %ne3A_482 = vector.broadcast %ne3A_481 : i32 to vector<16xi32>
    %ne3A_483 = arith.cmpi ne, %select_n3A_379, %ne3A_482 : vector<16xi32>
    %and3A_484 = arith.andi %eq3A_480, %ne3A_483 : vector<16xi1>
    %jit3A_485 = arith.constant 0 : i32
    %broadcast_in_dim3A_486 = vector.broadcast %jit3A_485 : i32 to vector<16xi32>
    %select_n3A_487 = arith.select %and3A_484, %broadcast_in_dim3A_486, %select_n3A_479 : vector<16xi1>, vector<16xi32>
    %eq3A_488 = arith.constant 0 : i32
    %eq3A_489 = vector.broadcast %eq3A_488 : i32 to vector<16xi32>
    %eq3A_490 = arith.cmpi eq, %select_n3A_379, %eq3A_489 : vector<16xi32>
    %select_n3A_491 = arith.select %eq3A_490, %broadcast_in_dim3A_34, %broadcast_in_dim3A_36 : vector<16xi1>, vector<16xf32>
    %add3A_492 = arith.addf %add3A_228, %select_n3A_491 : vector<16xf32>
    %eq3A_493 = arith.constant 0 : i32
    %eq3A_494 = vector.broadcast %eq3A_493 : i32 to vector<16xi32>
    %eq3A_495 = arith.cmpi eq, %select_n3A_487, %eq3A_494 : vector<16xi32>
    %select_n3A_496 = arith.select %eq3A_495, %broadcast_in_dim3A_34, %broadcast_in_dim3A_36 : vector<16xi1>, vector<16xf32>
    %add3A_497 = arith.addf %add3A_492, %select_n3A_496 : vector<16xf32>
    %eq3A_498 = arith.constant 1 : i32
    %eq3A_499 = vector.broadcast %eq3A_498 : i32 to vector<16xi32>
    %eq3A_500 = arith.cmpi eq, %select_n3A_379, %eq3A_499 : vector<16xi32>
    %select_n3A_501 = arith.select %eq3A_500, %broadcast_in_dim3A_34, %broadcast_in_dim3A_36 : vector<16xi1>, vector<16xf32>
    %add3A_502 = arith.addf %add3A_238, %select_n3A_501 : vector<16xf32>
    %eq3A_503 = arith.constant 1 : i32
    %eq3A_504 = vector.broadcast %eq3A_503 : i32 to vector<16xi32>
    %eq3A_505 = arith.cmpi eq, %select_n3A_487, %eq3A_504 : vector<16xi32>
    %select_n3A_506 = arith.select %eq3A_505, %broadcast_in_dim3A_34, %broadcast_in_dim3A_36 : vector<16xi1>, vector<16xf32>
    %add3A_507 = arith.addf %add3A_502, %select_n3A_506 : vector<16xf32>
    %eq3A_508 = arith.constant 2 : i32
    %eq3A_509 = vector.broadcast %eq3A_508 : i32 to vector<16xi32>
    %eq3A_510 = arith.cmpi eq, %select_n3A_379, %eq3A_509 : vector<16xi32>
    %select_n3A_511 = arith.select %eq3A_510, %broadcast_in_dim3A_34, %broadcast_in_dim3A_36 : vector<16xi1>, vector<16xf32>
    %add3A_512 = arith.addf %add3A_248, %select_n3A_511 : vector<16xf32>
    %eq3A_513 = arith.constant 2 : i32
    %eq3A_514 = vector.broadcast %eq3A_513 : i32 to vector<16xi32>
    %eq3A_515 = arith.cmpi eq, %select_n3A_487, %eq3A_514 : vector<16xi32>
    %select_n3A_516 = arith.select %eq3A_515, %broadcast_in_dim3A_34, %broadcast_in_dim3A_36 : vector<16xi1>, vector<16xf32>
    %add3A_517 = arith.addf %add3A_512, %select_n3A_516 : vector<16xf32>
    %eq3A_518 = arith.constant 3 : i32
    %eq3A_519 = vector.broadcast %eq3A_518 : i32 to vector<16xi32>
    %eq3A_520 = arith.cmpi eq, %select_n3A_379, %eq3A_519 : vector<16xi32>
    %select_n3A_521 = arith.select %eq3A_520, %broadcast_in_dim3A_34, %broadcast_in_dim3A_36 : vector<16xi1>, vector<16xf32>
    %add3A_522 = arith.addf %add3A_258, %select_n3A_521 : vector<16xf32>
    %eq3A_523 = arith.constant 3 : i32
    %eq3A_524 = vector.broadcast %eq3A_523 : i32 to vector<16xi32>
    %eq3A_525 = arith.cmpi eq, %select_n3A_487, %eq3A_524 : vector<16xi32>
    %select_n3A_526 = arith.select %eq3A_525, %broadcast_in_dim3A_34, %broadcast_in_dim3A_36 : vector<16xi1>, vector<16xf32>
    %add3A_527 = arith.addf %add3A_522, %select_n3A_526 : vector<16xf32>
    %eq3A_528 = arith.constant 4 : i32
    %eq3A_529 = vector.broadcast %eq3A_528 : i32 to vector<16xi32>
    %eq3A_530 = arith.cmpi eq, %select_n3A_379, %eq3A_529 : vector<16xi32>
    %select_n3A_531 = arith.select %eq3A_530, %broadcast_in_dim3A_34, %broadcast_in_dim3A_36 : vector<16xi1>, vector<16xf32>
    %add3A_532 = arith.addf %add3A_268, %select_n3A_531 : vector<16xf32>
    %eq3A_533 = arith.constant 4 : i32
    %eq3A_534 = vector.broadcast %eq3A_533 : i32 to vector<16xi32>
    %eq3A_535 = arith.cmpi eq, %select_n3A_487, %eq3A_534 : vector<16xi32>
    %select_n3A_536 = arith.select %eq3A_535, %broadcast_in_dim3A_34, %broadcast_in_dim3A_36 : vector<16xi1>, vector<16xf32>
    %add3A_537 = arith.addf %add3A_532, %select_n3A_536 : vector<16xf32>
    %eq3A_538 = arith.constant 5 : i32
    %eq3A_539 = vector.broadcast %eq3A_538 : i32 to vector<16xi32>
    %eq3A_540 = arith.cmpi eq, %select_n3A_379, %eq3A_539 : vector<16xi32>
    %select_n3A_541 = arith.select %eq3A_540, %broadcast_in_dim3A_34, %broadcast_in_dim3A_36 : vector<16xi1>, vector<16xf32>
    %add3A_542 = arith.addf %add3A_278, %select_n3A_541 : vector<16xf32>
    %eq3A_543 = arith.constant 5 : i32
    %eq3A_544 = vector.broadcast %eq3A_543 : i32 to vector<16xi32>
    %eq3A_545 = arith.cmpi eq, %select_n3A_487, %eq3A_544 : vector<16xi32>
    %select_n3A_546 = arith.select %eq3A_545, %broadcast_in_dim3A_34, %broadcast_in_dim3A_36 : vector<16xi1>, vector<16xf32>
    %add3A_547 = arith.addf %add3A_542, %select_n3A_546 : vector<16xf32>
    %eq3A_548 = arith.constant 6 : i32
    %eq3A_549 = vector.broadcast %eq3A_548 : i32 to vector<16xi32>
    %eq3A_550 = arith.cmpi eq, %select_n3A_379, %eq3A_549 : vector<16xi32>
    %select_n3A_551 = arith.select %eq3A_550, %broadcast_in_dim3A_34, %broadcast_in_dim3A_36 : vector<16xi1>, vector<16xf32>
    %add3A_552 = arith.addf %add3A_288, %select_n3A_551 : vector<16xf32>
    %eq3A_553 = arith.constant 6 : i32
    %eq3A_554 = vector.broadcast %eq3A_553 : i32 to vector<16xi32>
    %eq3A_555 = arith.cmpi eq, %select_n3A_487, %eq3A_554 : vector<16xi32>
    %select_n3A_556 = arith.select %eq3A_555, %broadcast_in_dim3A_34, %broadcast_in_dim3A_36 : vector<16xi1>, vector<16xf32>
    %add3A_557 = arith.addf %add3A_552, %select_n3A_556 : vector<16xf32>
    %eq3A_558 = arith.constant 7 : i32
    %eq3A_559 = vector.broadcast %eq3A_558 : i32 to vector<16xi32>
    %eq3A_560 = arith.cmpi eq, %select_n3A_379, %eq3A_559 : vector<16xi32>
    %select_n3A_561 = arith.select %eq3A_560, %broadcast_in_dim3A_34, %broadcast_in_dim3A_36 : vector<16xi1>, vector<16xf32>
    %add3A_562 = arith.addf %add3A_298, %select_n3A_561 : vector<16xf32>
    %eq3A_563 = arith.constant 7 : i32
    %eq3A_564 = vector.broadcast %eq3A_563 : i32 to vector<16xi32>
    %eq3A_565 = arith.cmpi eq, %select_n3A_487, %eq3A_564 : vector<16xi32>
    %select_n3A_566 = arith.select %eq3A_565, %broadcast_in_dim3A_34, %broadcast_in_dim3A_36 : vector<16xi1>, vector<16xf32>
    %add3A_567 = arith.addf %add3A_562, %select_n3A_566 : vector<16xf32>
    %get3A_568 = arith.constant 0 : i32
    %get3A_569 = arith.index_cast %get3A_568 : i32 to index
    %get3A_570 = arith.constant 32 : index
    %get3A_571 = tpu.vector_load %arg4[%get3A_569, %get3A_570] {strides = array<i32>} : memref<8x64xf32, #tpu.memory_space<vmem>>, vector<1x16xf32>,
    %get3A_572 = vector.shape_cast %get3A_571 : vector<1x16xf32> to vector<16xf32>
    %get3A_573 = arith.constant 1 : i32
    %get3A_574 = arith.index_cast %get3A_573 : i32 to index
    %get3A_575 = arith.constant 32 : index
    %get3A_576 = tpu.vector_load %arg4[%get3A_574, %get3A_575] {strides = array<i32>} : memref<8x64xf32, #tpu.memory_space<vmem>>, vector<1x16xf32>,
    %get3A_577 = vector.shape_cast %get3A_576 : vector<1x16xf32> to vector<16xf32>
    %get3A_578 = arith.constant 2 : i32
    %get3A_579 = arith.index_cast %get3A_578 : i32 to index
    %get3A_580 = arith.constant 32 : index
    %get3A_581 = tpu.vector_load %arg4[%get3A_579, %get3A_580] {strides = array<i32>} : memref<8x64xf32, #tpu.memory_space<vmem>>, vector<1x16xf32>,
    %get3A_582 = vector.shape_cast %get3A_581 : vector<1x16xf32> to vector<16xf32>
    %get3A_583 = arith.constant 3 : i32
    %get3A_584 = arith.index_cast %get3A_583 : i32 to index
    %get3A_585 = arith.constant 32 : index
    %get3A_586 = tpu.vector_load %arg4[%get3A_584, %get3A_585] {strides = array<i32>} : memref<8x64xf32, #tpu.memory_space<vmem>>, vector<1x16xf32>,
    %get3A_587 = vector.shape_cast %get3A_586 : vector<1x16xf32> to vector<16xf32>
    %get3A_588 = arith.constant 4 : i32
    %get3A_589 = arith.index_cast %get3A_588 : i32 to index
    %get3A_590 = arith.constant 32 : index
    %get3A_591 = tpu.vector_load %arg4[%get3A_589, %get3A_590] {strides = array<i32>} : memref<8x64xf32, #tpu.memory_space<vmem>>, vector<1x16xf32>,
    %get3A_592 = vector.shape_cast %get3A_591 : vector<1x16xf32> to vector<16xf32>
    %get3A_593 = arith.constant 5 : i32
    %get3A_594 = arith.index_cast %get3A_593 : i32 to index
    %get3A_595 = arith.constant 32 : index
    %get3A_596 = tpu.vector_load %arg4[%get3A_594, %get3A_595] {strides = array<i32>} : memref<8x64xf32, #tpu.memory_space<vmem>>, vector<1x16xf32>,
    %get3A_597 = vector.shape_cast %get3A_596 : vector<1x16xf32> to vector<16xf32>
    %get3A_598 = arith.constant 6 : i32
    %get3A_599 = arith.index_cast %get3A_598 : i32 to index
    %get3A_600 = arith.constant 32 : index
    %get3A_601 = tpu.vector_load %arg4[%get3A_599, %get3A_600] {strides = array<i32>} : memref<8x64xf32, #tpu.memory_space<vmem>>, vector<1x16xf32>,
    %get3A_602 = vector.shape_cast %get3A_601 : vector<1x16xf32> to vector<16xf32>
    %get3A_603 = arith.constant 7 : i32
    %get3A_604 = arith.index_cast %get3A_603 : i32 to index
    %get3A_605 = arith.constant 32 : index
    %get3A_606 = tpu.vector_load %arg4[%get3A_604, %get3A_605] {strides = array<i32>} : memref<8x64xf32, #tpu.memory_space<vmem>>, vector<1x16xf32>,
    %get3A_607 = vector.shape_cast %get3A_606 : vector<1x16xf32> to vector<16xf32>
    %max3A_608 = arith.maximumf %get3A_572, %get3A_577 : vector<16xf32>
    %max3A_609 = arith.maximumf %max3A_608, %get3A_582 : vector<16xf32>
    %max3A_610 = arith.maximumf %max3A_609, %get3A_587 : vector<16xf32>
    %max3A_611 = arith.maximumf %max3A_610, %get3A_592 : vector<16xf32>
    %max3A_612 = arith.maximumf %max3A_611, %get3A_597 : vector<16xf32>
    %max3A_613 = arith.maximumf %max3A_612, %get3A_602 : vector<16xf32>
    %max3A_614 = arith.maximumf %max3A_613, %get3A_607 : vector<16xf32>
    %broadcast_in_dim3A_615 = arith.constant 8 : i32
    %broadcast_in_dim3A_616 = vector.broadcast %broadcast_in_dim3A_615 : i32 to vector<16xi32>
    %eq3A_617 = arith.cmpf oeq, %get3A_607, %max3A_614 : vector<16xf32>
    %jit3A_618 = arith.constant 7 : i32
    %broadcast_in_dim3A_619 = vector.broadcast %jit3A_618 : i32 to vector<16xi32>
    %select_n3A_620 = arith.select %eq3A_617, %broadcast_in_dim3A_619, %broadcast_in_dim3A_616 : vector<16xi1>, vector<16xi32>
    %eq3A_621 = arith.cmpf oeq, %get3A_602, %max3A_614 : vector<16xf32>
    %jit3A_622 = arith.constant 6 : i32
    %broadcast_in_dim3A_623 = vector.broadcast %jit3A_622 : i32 to vector<16xi32>
    %select_n3A_624 = arith.select %eq3A_621, %broadcast_in_dim3A_623, %select_n3A_620 : vector<16xi1>, vector<16xi32>
    %eq3A_625 = arith.cmpf oeq, %get3A_597, %max3A_614 : vector<16xf32>
    %jit3A_626 = arith.constant 5 : i32
    %broadcast_in_dim3A_627 = vector.broadcast %jit3A_626 : i32 to vector<16xi32>
    %select_n3A_628 = arith.select %eq3A_625, %broadcast_in_dim3A_627, %select_n3A_624 : vector<16xi1>, vector<16xi32>
    %eq3A_629 = arith.cmpf oeq, %get3A_592, %max3A_614 : vector<16xf32>
    %jit3A_630 = arith.constant 4 : i32
    %broadcast_in_dim3A_631 = vector.broadcast %jit3A_630 : i32 to vector<16xi32>
    %select_n3A_632 = arith.select %eq3A_629, %broadcast_in_dim3A_631, %select_n3A_628 : vector<16xi1>, vector<16xi32>
    %eq3A_633 = arith.cmpf oeq, %get3A_587, %max3A_614 : vector<16xf32>
    %jit3A_634 = arith.constant 3 : i32
    %broadcast_in_dim3A_635 = vector.broadcast %jit3A_634 : i32 to vector<16xi32>
    %select_n3A_636 = arith.select %eq3A_633, %broadcast_in_dim3A_635, %select_n3A_632 : vector<16xi1>, vector<16xi32>
    %eq3A_637 = arith.cmpf oeq, %get3A_582, %max3A_614 : vector<16xf32>
    %jit3A_638 = arith.constant 2 : i32
    %broadcast_in_dim3A_639 = vector.broadcast %jit3A_638 : i32 to vector<16xi32>
    %select_n3A_640 = arith.select %eq3A_637, %broadcast_in_dim3A_639, %select_n3A_636 : vector<16xi1>, vector<16xi32>
    %eq3A_641 = arith.cmpf oeq, %get3A_577, %max3A_614 : vector<16xf32>
    %jit3A_642 = arith.constant 1 : i32
    %broadcast_in_dim3A_643 = vector.broadcast %jit3A_642 : i32 to vector<16xi32>
    %select_n3A_644 = arith.select %eq3A_641, %broadcast_in_dim3A_643, %select_n3A_640 : vector<16xi1>, vector<16xi32>
    %eq3A_645 = arith.cmpf oeq, %get3A_572, %max3A_614 : vector<16xf32>
    %jit3A_646 = arith.constant 0 : i32
    %broadcast_in_dim3A_647 = vector.broadcast %jit3A_646 : i32 to vector<16xi32>
    %select_n3A_648 = arith.select %eq3A_645, %broadcast_in_dim3A_647, %select_n3A_644 : vector<16xi1>, vector<16xi32>
    %broadcast_in_dim3A_649 = arith.constant -3.000000e+38 : f32
    %broadcast_in_dim3A_650 = vector.broadcast %broadcast_in_dim3A_649 : f32 to vector<16xf32>
    %eq3A_651 = arith.constant 0 : i32
    %eq3A_652 = vector.broadcast %eq3A_651 : i32 to vector<16xi32>
    %eq3A_653 = arith.cmpi eq, %select_n3A_648, %eq3A_652 : vector<16xi32>
    %select_n3A_654 = arith.select %eq3A_653, %broadcast_in_dim3A_650, %get3A_572 : vector<16xi1>, vector<16xf32>
    %max3A_655 = arith.maximumf %broadcast_in_dim3A_650, %select_n3A_654 : vector<16xf32>
    %eq3A_656 = arith.constant 1 : i32
    %eq3A_657 = vector.broadcast %eq3A_656 : i32 to vector<16xi32>
    %eq3A_658 = arith.cmpi eq, %select_n3A_648, %eq3A_657 : vector<16xi32>
    %select_n3A_659 = arith.select %eq3A_658, %broadcast_in_dim3A_650, %get3A_577 : vector<16xi1>, vector<16xf32>
    %max3A_660 = arith.maximumf %max3A_655, %select_n3A_659 : vector<16xf32>
    %eq3A_661 = arith.constant 2 : i32
    %eq3A_662 = vector.broadcast %eq3A_661 : i32 to vector<16xi32>
    %eq3A_663 = arith.cmpi eq, %select_n3A_648, %eq3A_662 : vector<16xi32>
    %select_n3A_664 = arith.select %eq3A_663, %broadcast_in_dim3A_650, %get3A_582 : vector<16xi1>, vector<16xf32>
    %max3A_665 = arith.maximumf %max3A_660, %select_n3A_664 : vector<16xf32>
    %eq3A_666 = arith.constant 3 : i32
    %eq3A_667 = vector.broadcast %eq3A_666 : i32 to vector<16xi32>
    %eq3A_668 = arith.cmpi eq, %select_n3A_648, %eq3A_667 : vector<16xi32>
    %select_n3A_669 = arith.select %eq3A_668, %broadcast_in_dim3A_650, %get3A_587 : vector<16xi1>, vector<16xf32>
    %max3A_670 = arith.maximumf %max3A_665, %select_n3A_669 : vector<16xf32>
    %eq3A_671 = arith.constant 4 : i32
    %eq3A_672 = vector.broadcast %eq3A_671 : i32 to vector<16xi32>
    %eq3A_673 = arith.cmpi eq, %select_n3A_648, %eq3A_672 : vector<16xi32>
    %select_n3A_674 = arith.select %eq3A_673, %broadcast_in_dim3A_650, %get3A_592 : vector<16xi1>, vector<16xf32>
    %max3A_675 = arith.maximumf %max3A_670, %select_n3A_674 : vector<16xf32>
    %eq3A_676 = arith.constant 5 : i32
    %eq3A_677 = vector.broadcast %eq3A_676 : i32 to vector<16xi32>
    %eq3A_678 = arith.cmpi eq, %select_n3A_648, %eq3A_677 : vector<16xi32>
    %select_n3A_679 = arith.select %eq3A_678, %broadcast_in_dim3A_650, %get3A_597 : vector<16xi1>, vector<16xf32>
    %max3A_680 = arith.maximumf %max3A_675, %select_n3A_679 : vector<16xf32>
    %eq3A_681 = arith.constant 6 : i32
    %eq3A_682 = vector.broadcast %eq3A_681 : i32 to vector<16xi32>
    %eq3A_683 = arith.cmpi eq, %select_n3A_648, %eq3A_682 : vector<16xi32>
    %select_n3A_684 = arith.select %eq3A_683, %broadcast_in_dim3A_650, %get3A_602 : vector<16xi1>, vector<16xf32>
    %max3A_685 = arith.maximumf %max3A_680, %select_n3A_684 : vector<16xf32>
    %eq3A_686 = arith.constant 7 : i32
    %eq3A_687 = vector.broadcast %eq3A_686 : i32 to vector<16xi32>
    %eq3A_688 = arith.cmpi eq, %select_n3A_648, %eq3A_687 : vector<16xi32>
    %select_n3A_689 = arith.select %eq3A_688, %broadcast_in_dim3A_650, %get3A_607 : vector<16xi1>, vector<16xf32>
    %max3A_690 = arith.maximumf %max3A_685, %select_n3A_689 : vector<16xf32>
    %broadcast_in_dim3A_691 = arith.constant 8 : i32
    %broadcast_in_dim3A_692 = vector.broadcast %broadcast_in_dim3A_691 : i32 to vector<16xi32>
    %eq3A_693 = arith.cmpf oeq, %get3A_607, %max3A_690 : vector<16xf32>
    %ne3A_694 = arith.constant 7 : i32
    %ne3A_695 = vector.broadcast %ne3A_694 : i32 to vector<16xi32>
    %ne3A_696 = arith.cmpi ne, %select_n3A_648, %ne3A_695 : vector<16xi32>
    %and3A_697 = arith.andi %eq3A_693, %ne3A_696 : vector<16xi1>
    %jit3A_698 = arith.constant 7 : i32
    %broadcast_in_dim3A_699 = vector.broadcast %jit3A_698 : i32 to vector<16xi32>
    %select_n3A_700 = arith.select %and3A_697, %broadcast_in_dim3A_699, %broadcast_in_dim3A_692 : vector<16xi1>, vector<16xi32>
    %eq3A_701 = arith.cmpf oeq, %get3A_602, %max3A_690 : vector<16xf32>
    %ne3A_702 = arith.constant 6 : i32
    %ne3A_703 = vector.broadcast %ne3A_702 : i32 to vector<16xi32>
    %ne3A_704 = arith.cmpi ne, %select_n3A_648, %ne3A_703 : vector<16xi32>
    %and3A_705 = arith.andi %eq3A_701, %ne3A_704 : vector<16xi1>
    %jit3A_706 = arith.constant 6 : i32
    %broadcast_in_dim3A_707 = vector.broadcast %jit3A_706 : i32 to vector<16xi32>
    %select_n3A_708 = arith.select %and3A_705, %broadcast_in_dim3A_707, %select_n3A_700 : vector<16xi1>, vector<16xi32>
    %eq3A_709 = arith.cmpf oeq, %get3A_597, %max3A_690 : vector<16xf32>
    %ne3A_710 = arith.constant 5 : i32
    %ne3A_711 = vector.broadcast %ne3A_710 : i32 to vector<16xi32>
    %ne3A_712 = arith.cmpi ne, %select_n3A_648, %ne3A_711 : vector<16xi32>
    %and3A_713 = arith.andi %eq3A_709, %ne3A_712 : vector<16xi1>
    %jit3A_714 = arith.constant 5 : i32
    %broadcast_in_dim3A_715 = vector.broadcast %jit3A_714 : i32 to vector<16xi32>
    %select_n3A_716 = arith.select %and3A_713, %broadcast_in_dim3A_715, %select_n3A_708 : vector<16xi1>, vector<16xi32>
    %eq3A_717 = arith.cmpf oeq, %get3A_592, %max3A_690 : vector<16xf32>
    %ne3A_718 = arith.constant 4 : i32
    %ne3A_719 = vector.broadcast %ne3A_718 : i32 to vector<16xi32>
    %ne3A_720 = arith.cmpi ne, %select_n3A_648, %ne3A_719 : vector<16xi32>
    %and3A_721 = arith.andi %eq3A_717, %ne3A_720 : vector<16xi1>
    %jit3A_722 = arith.constant 4 : i32
    %broadcast_in_dim3A_723 = vector.broadcast %jit3A_722 : i32 to vector<16xi32>
    %select_n3A_724 = arith.select %and3A_721, %broadcast_in_dim3A_723, %select_n3A_716 : vector<16xi1>, vector<16xi32>
    %eq3A_725 = arith.cmpf oeq, %get3A_587, %max3A_690 : vector<16xf32>
    %ne3A_726 = arith.constant 3 : i32
    %ne3A_727 = vector.broadcast %ne3A_726 : i32 to vector<16xi32>
    %ne3A_728 = arith.cmpi ne, %select_n3A_648, %ne3A_727 : vector<16xi32>
    %and3A_729 = arith.andi %eq3A_725, %ne3A_728 : vector<16xi1>
    %jit3A_730 = arith.constant 3 : i32
    %broadcast_in_dim3A_731 = vector.broadcast %jit3A_730 : i32 to vector<16xi32>
    %select_n3A_732 = arith.select %and3A_729, %broadcast_in_dim3A_731, %select_n3A_724 : vector<16xi1>, vector<16xi32>
    %eq3A_733 = arith.cmpf oeq, %get3A_582, %max3A_690 : vector<16xf32>
    %ne3A_734 = arith.constant 2 : i32
    %ne3A_735 = vector.broadcast %ne3A_734 : i32 to vector<16xi32>
    %ne3A_736 = arith.cmpi ne, %select_n3A_648, %ne3A_735 : vector<16xi32>
    %and3A_737 = arith.andi %eq3A_733, %ne3A_736 : vector<16xi1>
    %jit3A_738 = arith.constant 2 : i32
    %broadcast_in_dim3A_739 = vector.broadcast %jit3A_738 : i32 to vector<16xi32>
    %select_n3A_740 = arith.select %and3A_737, %broadcast_in_dim3A_739, %select_n3A_732 : vector<16xi1>, vector<16xi32>
    %eq3A_741 = arith.cmpf oeq, %get3A_577, %max3A_690 : vector<16xf32>
    %ne3A_742 = arith.constant 1 : i32
    %ne3A_743 = vector.broadcast %ne3A_742 : i32 to vector<16xi32>
    %ne3A_744 = arith.cmpi ne, %select_n3A_648, %ne3A_743 : vector<16xi32>
    %and3A_745 = arith.andi %eq3A_741, %ne3A_744 : vector<16xi1>
    %jit3A_746 = arith.constant 1 : i32
    %broadcast_in_dim3A_747 = vector.broadcast %jit3A_746 : i32 to vector<16xi32>
    %select_n3A_748 = arith.select %and3A_745, %broadcast_in_dim3A_747, %select_n3A_740 : vector<16xi1>, vector<16xi32>
    %eq3A_749 = arith.cmpf oeq, %get3A_572, %max3A_690 : vector<16xf32>
    %ne3A_750 = arith.constant 0 : i32
    %ne3A_751 = vector.broadcast %ne3A_750 : i32 to vector<16xi32>
    %ne3A_752 = arith.cmpi ne, %select_n3A_648, %ne3A_751 : vector<16xi32>
    %and3A_753 = arith.andi %eq3A_749, %ne3A_752 : vector<16xi1>
    %jit3A_754 = arith.constant 0 : i32
    %broadcast_in_dim3A_755 = vector.broadcast %jit3A_754 : i32 to vector<16xi32>
    %select_n3A_756 = arith.select %and3A_753, %broadcast_in_dim3A_755, %select_n3A_748 : vector<16xi1>, vector<16xi32>
    %eq3A_757 = arith.constant 0 : i32
    %eq3A_758 = vector.broadcast %eq3A_757 : i32 to vector<16xi32>
    %eq3A_759 = arith.cmpi eq, %select_n3A_648, %eq3A_758 : vector<16xi32>
    %select_n3A_760 = arith.select %eq3A_759, %broadcast_in_dim3A_34, %broadcast_in_dim3A_36 : vector<16xi1>, vector<16xf32>
    %add3A_761 = arith.addf %add3A_497, %select_n3A_760 : vector<16xf32>
    %eq3A_762 = arith.constant 0 : i32
    %eq3A_763 = vector.broadcast %eq3A_762 : i32 to vector<16xi32>
    %eq3A_764 = arith.cmpi eq, %select_n3A_756, %eq3A_763 : vector<16xi32>
    %select_n3A_765 = arith.select %eq3A_764, %broadcast_in_dim3A_34, %broadcast_in_dim3A_36 : vector<16xi1>, vector<16xf32>
    %add3A_766 = arith.addf %add3A_761, %select_n3A_765 : vector<16xf32>
    %eq3A_767 = arith.constant 1 : i32
    %eq3A_768 = vector.broadcast %eq3A_767 : i32 to vector<16xi32>
    %eq3A_769 = arith.cmpi eq, %select_n3A_648, %eq3A_768 : vector<16xi32>
    %select_n3A_770 = arith.select %eq3A_769, %broadcast_in_dim3A_34, %broadcast_in_dim3A_36 : vector<16xi1>, vector<16xf32>
    %add3A_771 = arith.addf %add3A_507, %select_n3A_770 : vector<16xf32>
    %eq3A_772 = arith.constant 1 : i32
    %eq3A_773 = vector.broadcast %eq3A_772 : i32 to vector<16xi32>
    %eq3A_774 = arith.cmpi eq, %select_n3A_756, %eq3A_773 : vector<16xi32>
    %select_n3A_775 = arith.select %eq3A_774, %broadcast_in_dim3A_34, %broadcast_in_dim3A_36 : vector<16xi1>, vector<16xf32>
    %add3A_776 = arith.addf %add3A_771, %select_n3A_775 : vector<16xf32>
    %eq3A_777 = arith.constant 2 : i32
    %eq3A_778 = vector.broadcast %eq3A_777 : i32 to vector<16xi32>
    %eq3A_779 = arith.cmpi eq, %select_n3A_648, %eq3A_778 : vector<16xi32>
    %select_n3A_780 = arith.select %eq3A_779, %broadcast_in_dim3A_34, %broadcast_in_dim3A_36 : vector<16xi1>, vector<16xf32>
    %add3A_781 = arith.addf %add3A_517, %select_n3A_780 : vector<16xf32>
    %eq3A_782 = arith.constant 2 : i32
    %eq3A_783 = vector.broadcast %eq3A_782 : i32 to vector<16xi32>
    %eq3A_784 = arith.cmpi eq, %select_n3A_756, %eq3A_783 : vector<16xi32>
    %select_n3A_785 = arith.select %eq3A_784, %broadcast_in_dim3A_34, %broadcast_in_dim3A_36 : vector<16xi1>, vector<16xf32>
    %add3A_786 = arith.addf %add3A_781, %select_n3A_785 : vector<16xf32>
    %eq3A_787 = arith.constant 3 : i32
    %eq3A_788 = vector.broadcast %eq3A_787 : i32 to vector<16xi32>
    %eq3A_789 = arith.cmpi eq, %select_n3A_648, %eq3A_788 : vector<16xi32>
    %select_n3A_790 = arith.select %eq3A_789, %broadcast_in_dim3A_34, %broadcast_in_dim3A_36 : vector<16xi1>, vector<16xf32>
    %add3A_791 = arith.addf %add3A_527, %select_n3A_790 : vector<16xf32>
    %eq3A_792 = arith.constant 3 : i32
    %eq3A_793 = vector.broadcast %eq3A_792 : i32 to vector<16xi32>
    %eq3A_794 = arith.cmpi eq, %select_n3A_756, %eq3A_793 : vector<16xi32>
    %select_n3A_795 = arith.select %eq3A_794, %broadcast_in_dim3A_34, %broadcast_in_dim3A_36 : vector<16xi1>, vector<16xf32>
    %add3A_796 = arith.addf %add3A_791, %select_n3A_795 : vector<16xf32>
    %eq3A_797 = arith.constant 4 : i32
    %eq3A_798 = vector.broadcast %eq3A_797 : i32 to vector<16xi32>
    %eq3A_799 = arith.cmpi eq, %select_n3A_648, %eq3A_798 : vector<16xi32>
    %select_n3A_800 = arith.select %eq3A_799, %broadcast_in_dim3A_34, %broadcast_in_dim3A_36 : vector<16xi1>, vector<16xf32>
    %add3A_801 = arith.addf %add3A_537, %select_n3A_800 : vector<16xf32>
    %eq3A_802 = arith.constant 4 : i32
    %eq3A_803 = vector.broadcast %eq3A_802 : i32 to vector<16xi32>
    %eq3A_804 = arith.cmpi eq, %select_n3A_756, %eq3A_803 : vector<16xi32>
    %select_n3A_805 = arith.select %eq3A_804, %broadcast_in_dim3A_34, %broadcast_in_dim3A_36 : vector<16xi1>, vector<16xf32>
    %add3A_806 = arith.addf %add3A_801, %select_n3A_805 : vector<16xf32>
    %eq3A_807 = arith.constant 5 : i32
    %eq3A_808 = vector.broadcast %eq3A_807 : i32 to vector<16xi32>
    %eq3A_809 = arith.cmpi eq, %select_n3A_648, %eq3A_808 : vector<16xi32>
    %select_n3A_810 = arith.select %eq3A_809, %broadcast_in_dim3A_34, %broadcast_in_dim3A_36 : vector<16xi1>, vector<16xf32>
    %add3A_811 = arith.addf %add3A_547, %select_n3A_810 : vector<16xf32>
    %eq3A_812 = arith.constant 5 : i32
    %eq3A_813 = vector.broadcast %eq3A_812 : i32 to vector<16xi32>
    %eq3A_814 = arith.cmpi eq, %select_n3A_756, %eq3A_813 : vector<16xi32>
    %select_n3A_815 = arith.select %eq3A_814, %broadcast_in_dim3A_34, %broadcast_in_dim3A_36 : vector<16xi1>, vector<16xf32>
    %add3A_816 = arith.addf %add3A_811, %select_n3A_815 : vector<16xf32>
    %eq3A_817 = arith.constant 6 : i32
    %eq3A_818 = vector.broadcast %eq3A_817 : i32 to vector<16xi32>
    %eq3A_819 = arith.cmpi eq, %select_n3A_648, %eq3A_818 : vector<16xi32>
    %select_n3A_820 = arith.select %eq3A_819, %broadcast_in_dim3A_34, %broadcast_in_dim3A_36 : vector<16xi1>, vector<16xf32>
    %add3A_821 = arith.addf %add3A_557, %select_n3A_820 : vector<16xf32>
    %eq3A_822 = arith.constant 6 : i32
    %eq3A_823 = vector.broadcast %eq3A_822 : i32 to vector<16xi32>
    %eq3A_824 = arith.cmpi eq, %select_n3A_756, %eq3A_823 : vector<16xi32>
    %select_n3A_825 = arith.select %eq3A_824, %broadcast_in_dim3A_34, %broadcast_in_dim3A_36 : vector<16xi1>, vector<16xf32>
    %add3A_826 = arith.addf %add3A_821, %select_n3A_825 : vector<16xf32>
    %eq3A_827 = arith.constant 7 : i32
    %eq3A_828 = vector.broadcast %eq3A_827 : i32 to vector<16xi32>
    %eq3A_829 = arith.cmpi eq, %select_n3A_648, %eq3A_828 : vector<16xi32>
    %select_n3A_830 = arith.select %eq3A_829, %broadcast_in_dim3A_34, %broadcast_in_dim3A_36 : vector<16xi1>, vector<16xf32>
    %add3A_831 = arith.addf %add3A_567, %select_n3A_830 : vector<16xf32>
    %eq3A_832 = arith.constant 7 : i32
    %eq3A_833 = vector.broadcast %eq3A_832 : i32 to vector<16xi32>
    %eq3A_834 = arith.cmpi eq, %select_n3A_756, %eq3A_833 : vector<16xi32>
    %select_n3A_835 = arith.select %eq3A_834, %broadcast_in_dim3A_34, %broadcast_in_dim3A_36 : vector<16xi1>, vector<16xf32>
    %add3A_836 = arith.addf %add3A_831, %select_n3A_835 : vector<16xf32>
    %get3A_837 = arith.constant 0 : i32
    %get3A_838 = arith.index_cast %get3A_837 : i32 to index
    %get3A_839 = arith.constant 48 : index
    %get3A_840 = tpu.vector_load %arg4[%get3A_838, %get3A_839] {strides = array<i32>} : memref<8x64xf32, #tpu.memory_space<vmem>>, vector<1x16xf32>,
    %get3A_841 = vector.shape_cast %get3A_840 : vector<1x16xf32> to vector<16xf32>
    %get3A_842 = arith.constant 1 : i32
    %get3A_843 = arith.index_cast %get3A_842 : i32 to index
    %get3A_844 = arith.constant 48 : index
    %get3A_845 = tpu.vector_load %arg4[%get3A_843, %get3A_844] {strides = array<i32>} : memref<8x64xf32, #tpu.memory_space<vmem>>, vector<1x16xf32>,
    %get3A_846 = vector.shape_cast %get3A_845 : vector<1x16xf32> to vector<16xf32>
    %get3A_847 = arith.constant 2 : i32
    %get3A_848 = arith.index_cast %get3A_847 : i32 to index
    %get3A_849 = arith.constant 48 : index
    %get3A_850 = tpu.vector_load %arg4[%get3A_848, %get3A_849] {strides = array<i32>} : memref<8x64xf32, #tpu.memory_space<vmem>>, vector<1x16xf32>,
    %get3A_851 = vector.shape_cast %get3A_850 : vector<1x16xf32> to vector<16xf32>
    %get3A_852 = arith.constant 3 : i32
    %get3A_853 = arith.index_cast %get3A_852 : i32 to index
    %get3A_854 = arith.constant 48 : index
    %get3A_855 = tpu.vector_load %arg4[%get3A_853, %get3A_854] {strides = array<i32>} : memref<8x64xf32, #tpu.memory_space<vmem>>, vector<1x16xf32>,
    %get3A_856 = vector.shape_cast %get3A_855 : vector<1x16xf32> to vector<16xf32>
    %get3A_857 = arith.constant 4 : i32
    %get3A_858 = arith.index_cast %get3A_857 : i32 to index
    %get3A_859 = arith.constant 48 : index
    %get3A_860 = tpu.vector_load %arg4[%get3A_858, %get3A_859] {strides = array<i32>} : memref<8x64xf32, #tpu.memory_space<vmem>>, vector<1x16xf32>,
    %get3A_861 = vector.shape_cast %get3A_860 : vector<1x16xf32> to vector<16xf32>
    %get3A_862 = arith.constant 5 : i32
    %get3A_863 = arith.index_cast %get3A_862 : i32 to index
    %get3A_864 = arith.constant 48 : index
    %get3A_865 = tpu.vector_load %arg4[%get3A_863, %get3A_864] {strides = array<i32>} : memref<8x64xf32, #tpu.memory_space<vmem>>, vector<1x16xf32>,
    %get3A_866 = vector.shape_cast %get3A_865 : vector<1x16xf32> to vector<16xf32>
    %get3A_867 = arith.constant 6 : i32
    %get3A_868 = arith.index_cast %get3A_867 : i32 to index
    %get3A_869 = arith.constant 48 : index
    %get3A_870 = tpu.vector_load %arg4[%get3A_868, %get3A_869] {strides = array<i32>} : memref<8x64xf32, #tpu.memory_space<vmem>>, vector<1x16xf32>,
    %get3A_871 = vector.shape_cast %get3A_870 : vector<1x16xf32> to vector<16xf32>
    %get3A_872 = arith.constant 7 : i32
    %get3A_873 = arith.index_cast %get3A_872 : i32 to index
    %get3A_874 = arith.constant 48 : index
    %get3A_875 = tpu.vector_load %arg4[%get3A_873, %get3A_874] {strides = array<i32>} : memref<8x64xf32, #tpu.memory_space<vmem>>, vector<1x16xf32>,
    %get3A_876 = vector.shape_cast %get3A_875 : vector<1x16xf32> to vector<16xf32>
    %max3A_877 = arith.maximumf %get3A_841, %get3A_846 : vector<16xf32>
    %max3A_878 = arith.maximumf %max3A_877, %get3A_851 : vector<16xf32>
    %max3A_879 = arith.maximumf %max3A_878, %get3A_856 : vector<16xf32>
    %max3A_880 = arith.maximumf %max3A_879, %get3A_861 : vector<16xf32>
    %max3A_881 = arith.maximumf %max3A_880, %get3A_866 : vector<16xf32>
    %max3A_882 = arith.maximumf %max3A_881, %get3A_871 : vector<16xf32>
    %max3A_883 = arith.maximumf %max3A_882, %get3A_876 : vector<16xf32>
    %broadcast_in_dim3A_884 = arith.constant 8 : i32
    %broadcast_in_dim3A_885 = vector.broadcast %broadcast_in_dim3A_884 : i32 to vector<16xi32>
    %eq3A_886 = arith.cmpf oeq, %get3A_876, %max3A_883 : vector<16xf32>
    %jit3A_887 = arith.constant 7 : i32
    %broadcast_in_dim3A_888 = vector.broadcast %jit3A_887 : i32 to vector<16xi32>
    %select_n3A_889 = arith.select %eq3A_886, %broadcast_in_dim3A_888, %broadcast_in_dim3A_885 : vector<16xi1>, vector<16xi32>
    %eq3A_890 = arith.cmpf oeq, %get3A_871, %max3A_883 : vector<16xf32>
    %jit3A_891 = arith.constant 6 : i32
    %broadcast_in_dim3A_892 = vector.broadcast %jit3A_891 : i32 to vector<16xi32>
    %select_n3A_893 = arith.select %eq3A_890, %broadcast_in_dim3A_892, %select_n3A_889 : vector<16xi1>, vector<16xi32>
    %eq3A_894 = arith.cmpf oeq, %get3A_866, %max3A_883 : vector<16xf32>
    %jit3A_895 = arith.constant 5 : i32
    %broadcast_in_dim3A_896 = vector.broadcast %jit3A_895 : i32 to vector<16xi32>
    %select_n3A_897 = arith.select %eq3A_894, %broadcast_in_dim3A_896, %select_n3A_893 : vector<16xi1>, vector<16xi32>
    %eq3A_898 = arith.cmpf oeq, %get3A_861, %max3A_883 : vector<16xf32>
    %jit3A_899 = arith.constant 4 : i32
    %broadcast_in_dim3A_900 = vector.broadcast %jit3A_899 : i32 to vector<16xi32>
    %select_n3A_901 = arith.select %eq3A_898, %broadcast_in_dim3A_900, %select_n3A_897 : vector<16xi1>, vector<16xi32>
    %eq3A_902 = arith.cmpf oeq, %get3A_856, %max3A_883 : vector<16xf32>
    %jit3A_903 = arith.constant 3 : i32
    %broadcast_in_dim3A_904 = vector.broadcast %jit3A_903 : i32 to vector<16xi32>
    %select_n3A_905 = arith.select %eq3A_902, %broadcast_in_dim3A_904, %select_n3A_901 : vector<16xi1>, vector<16xi32>
    %eq3A_906 = arith.cmpf oeq, %get3A_851, %max3A_883 : vector<16xf32>
    %jit3A_907 = arith.constant 2 : i32
    %broadcast_in_dim3A_908 = vector.broadcast %jit3A_907 : i32 to vector<16xi32>
    %select_n3A_909 = arith.select %eq3A_906, %broadcast_in_dim3A_908, %select_n3A_905 : vector<16xi1>, vector<16xi32>
    %eq3A_910 = arith.cmpf oeq, %get3A_846, %max3A_883 : vector<16xf32>
    %jit3A_911 = arith.constant 1 : i32
    %broadcast_in_dim3A_912 = vector.broadcast %jit3A_911 : i32 to vector<16xi32>
    %select_n3A_913 = arith.select %eq3A_910, %broadcast_in_dim3A_912, %select_n3A_909 : vector<16xi1>, vector<16xi32>
    %eq3A_914 = arith.cmpf oeq, %get3A_841, %max3A_883 : vector<16xf32>
    %jit3A_915 = arith.constant 0 : i32
    %broadcast_in_dim3A_916 = vector.broadcast %jit3A_915 : i32 to vector<16xi32>
    %select_n3A_917 = arith.select %eq3A_914, %broadcast_in_dim3A_916, %select_n3A_913 : vector<16xi1>, vector<16xi32>
    %broadcast_in_dim3A_918 = arith.constant -3.000000e+38 : f32
    %broadcast_in_dim3A_919 = vector.broadcast %broadcast_in_dim3A_918 : f32 to vector<16xf32>
    %eq3A_920 = arith.constant 0 : i32
    %eq3A_921 = vector.broadcast %eq3A_920 : i32 to vector<16xi32>
    %eq3A_922 = arith.cmpi eq, %select_n3A_917, %eq3A_921 : vector<16xi32>
    %select_n3A_923 = arith.select %eq3A_922, %broadcast_in_dim3A_919, %get3A_841 : vector<16xi1>, vector<16xf32>
    %max3A_924 = arith.maximumf %broadcast_in_dim3A_919, %select_n3A_923 : vector<16xf32>
    %eq3A_925 = arith.constant 1 : i32
    %eq3A_926 = vector.broadcast %eq3A_925 : i32 to vector<16xi32>
    %eq3A_927 = arith.cmpi eq, %select_n3A_917, %eq3A_926 : vector<16xi32>
    %select_n3A_928 = arith.select %eq3A_927, %broadcast_in_dim3A_919, %get3A_846 : vector<16xi1>, vector<16xf32>
    %max3A_929 = arith.maximumf %max3A_924, %select_n3A_928 : vector<16xf32>
    %eq3A_930 = arith.constant 2 : i32
    %eq3A_931 = vector.broadcast %eq3A_930 : i32 to vector<16xi32>
    %eq3A_932 = arith.cmpi eq, %select_n3A_917, %eq3A_931 : vector<16xi32>
    %select_n3A_933 = arith.select %eq3A_932, %broadcast_in_dim3A_919, %get3A_851 : vector<16xi1>, vector<16xf32>
    %max3A_934 = arith.maximumf %max3A_929, %select_n3A_933 : vector<16xf32>
    %eq3A_935 = arith.constant 3 : i32
    %eq3A_936 = vector.broadcast %eq3A_935 : i32 to vector<16xi32>
    %eq3A_937 = arith.cmpi eq, %select_n3A_917, %eq3A_936 : vector<16xi32>
    %select_n3A_938 = arith.select %eq3A_937, %broadcast_in_dim3A_919, %get3A_856 : vector<16xi1>, vector<16xf32>
    %max3A_939 = arith.maximumf %max3A_934, %select_n3A_938 : vector<16xf32>
    %eq3A_940 = arith.constant 4 : i32
    %eq3A_941 = vector.broadcast %eq3A_940 : i32 to vector<16xi32>
    %eq3A_942 = arith.cmpi eq, %select_n3A_917, %eq3A_941 : vector<16xi32>
    %select_n3A_943 = arith.select %eq3A_942, %broadcast_in_dim3A_919, %get3A_861 : vector<16xi1>, vector<16xf32>
    %max3A_944 = arith.maximumf %max3A_939, %select_n3A_943 : vector<16xf32>
    %eq3A_945 = arith.constant 5 : i32
    %eq3A_946 = vector.broadcast %eq3A_945 : i32 to vector<16xi32>
    %eq3A_947 = arith.cmpi eq, %select_n3A_917, %eq3A_946 : vector<16xi32>
    %select_n3A_948 = arith.select %eq3A_947, %broadcast_in_dim3A_919, %get3A_866 : vector<16xi1>, vector<16xf32>
    %max3A_949 = arith.maximumf %max3A_944, %select_n3A_948 : vector<16xf32>
    %eq3A_950 = arith.constant 6 : i32
    %eq3A_951 = vector.broadcast %eq3A_950 : i32 to vector<16xi32>
    %eq3A_952 = arith.cmpi eq, %select_n3A_917, %eq3A_951 : vector<16xi32>
    %select_n3A_953 = arith.select %eq3A_952, %broadcast_in_dim3A_919, %get3A_871 : vector<16xi1>, vector<16xf32>
    %max3A_954 = arith.maximumf %max3A_949, %select_n3A_953 : vector<16xf32>
    %eq3A_955 = arith.constant 7 : i32
    %eq3A_956 = vector.broadcast %eq3A_955 : i32 to vector<16xi32>
    %eq3A_957 = arith.cmpi eq, %select_n3A_917, %eq3A_956 : vector<16xi32>
    %select_n3A_958 = arith.select %eq3A_957, %broadcast_in_dim3A_919, %get3A_876 : vector<16xi1>, vector<16xf32>
    %max3A_959 = arith.maximumf %max3A_954, %select_n3A_958 : vector<16xf32>
    %broadcast_in_dim3A_960 = arith.constant 8 : i32
    %broadcast_in_dim3A_961 = vector.broadcast %broadcast_in_dim3A_960 : i32 to vector<16xi32>
    %eq3A_962 = arith.cmpf oeq, %get3A_876, %max3A_959 : vector<16xf32>
    %ne3A_963 = arith.constant 7 : i32
    %ne3A_964 = vector.broadcast %ne3A_963 : i32 to vector<16xi32>
    %ne3A_965 = arith.cmpi ne, %select_n3A_917, %ne3A_964 : vector<16xi32>
    %and3A_966 = arith.andi %eq3A_962, %ne3A_965 : vector<16xi1>
    %jit3A_967 = arith.constant 7 : i32
    %broadcast_in_dim3A_968 = vector.broadcast %jit3A_967 : i32 to vector<16xi32>
    %select_n3A_969 = arith.select %and3A_966, %broadcast_in_dim3A_968, %broadcast_in_dim3A_961 : vector<16xi1>, vector<16xi32>
    %eq3A_970 = arith.cmpf oeq, %get3A_871, %max3A_959 : vector<16xf32>
    %ne3A_971 = arith.constant 6 : i32
    %ne3A_972 = vector.broadcast %ne3A_971 : i32 to vector<16xi32>
    %ne3A_973 = arith.cmpi ne, %select_n3A_917, %ne3A_972 : vector<16xi32>
    %and3A_974 = arith.andi %eq3A_970, %ne3A_973 : vector<16xi1>
    %jit3A_975 = arith.constant 6 : i32
    %broadcast_in_dim3A_976 = vector.broadcast %jit3A_975 : i32 to vector<16xi32>
    %select_n3A_977 = arith.select %and3A_974, %broadcast_in_dim3A_976, %select_n3A_969 : vector<16xi1>, vector<16xi32>
    %eq3A_978 = arith.cmpf oeq, %get3A_866, %max3A_959 : vector<16xf32>
    %ne3A_979 = arith.constant 5 : i32
    %ne3A_980 = vector.broadcast %ne3A_979 : i32 to vector<16xi32>
    %ne3A_981 = arith.cmpi ne, %select_n3A_917, %ne3A_980 : vector<16xi32>
    %and3A_982 = arith.andi %eq3A_978, %ne3A_981 : vector<16xi1>
    %jit3A_983 = arith.constant 5 : i32
    %broadcast_in_dim3A_984 = vector.broadcast %jit3A_983 : i32 to vector<16xi32>
    %select_n3A_985 = arith.select %and3A_982, %broadcast_in_dim3A_984, %select_n3A_977 : vector<16xi1>, vector<16xi32>
    %eq3A_986 = arith.cmpf oeq, %get3A_861, %max3A_959 : vector<16xf32>
    %ne3A_987 = arith.constant 4 : i32
    %ne3A_988 = vector.broadcast %ne3A_987 : i32 to vector<16xi32>
    %ne3A_989 = arith.cmpi ne, %select_n3A_917, %ne3A_988 : vector<16xi32>
    %and3A_990 = arith.andi %eq3A_986, %ne3A_989 : vector<16xi1>
    %jit3A_991 = arith.constant 4 : i32
    %broadcast_in_dim3A_992 = vector.broadcast %jit3A_991 : i32 to vector<16xi32>
    %select_n3A_993 = arith.select %and3A_990, %broadcast_in_dim3A_992, %select_n3A_985 : vector<16xi1>, vector<16xi32>
    %eq3A_994 = arith.cmpf oeq, %get3A_856, %max3A_959 : vector<16xf32>
    %ne3A_995 = arith.constant 3 : i32
    %ne3A_996 = vector.broadcast %ne3A_995 : i32 to vector<16xi32>
    %ne3A_997 = arith.cmpi ne, %select_n3A_917, %ne3A_996 : vector<16xi32>
    %and3A_998 = arith.andi %eq3A_994, %ne3A_997 : vector<16xi1>
    %jit3A_999 = arith.constant 3 : i32
    %broadcast_in_dim3A_1000 = vector.broadcast %jit3A_999 : i32 to vector<16xi32>
    %select_n3A_1001 = arith.select %and3A_998, %broadcast_in_dim3A_1000, %select_n3A_993 : vector<16xi1>, vector<16xi32>
    %eq3A_1002 = arith.cmpf oeq, %get3A_851, %max3A_959 : vector<16xf32>
    %ne3A_1003 = arith.constant 2 : i32
    %ne3A_1004 = vector.broadcast %ne3A_1003 : i32 to vector<16xi32>
    %ne3A_1005 = arith.cmpi ne, %select_n3A_917, %ne3A_1004 : vector<16xi32>
    %and3A_1006 = arith.andi %eq3A_1002, %ne3A_1005 : vector<16xi1>
    %jit3A_1007 = arith.constant 2 : i32
    %broadcast_in_dim3A_1008 = vector.broadcast %jit3A_1007 : i32 to vector<16xi32>
    %select_n3A_1009 = arith.select %and3A_1006, %broadcast_in_dim3A_1008, %select_n3A_1001 : vector<16xi1>, vector<16xi32>
    %eq3A_1010 = arith.cmpf oeq, %get3A_846, %max3A_959 : vector<16xf32>
    %ne3A_1011 = arith.constant 1 : i32
    %ne3A_1012 = vector.broadcast %ne3A_1011 : i32 to vector<16xi32>
    %ne3A_1013 = arith.cmpi ne, %select_n3A_917, %ne3A_1012 : vector<16xi32>
    %and3A_1014 = arith.andi %eq3A_1010, %ne3A_1013 : vector<16xi1>
    %jit3A_1015 = arith.constant 1 : i32
    %broadcast_in_dim3A_1016 = vector.broadcast %jit3A_1015 : i32 to vector<16xi32>
    %select_n3A_1017 = arith.select %and3A_1014, %broadcast_in_dim3A_1016, %select_n3A_1009 : vector<16xi1>, vector<16xi32>
    %eq3A_1018 = arith.cmpf oeq, %get3A_841, %max3A_959 : vector<16xf32>
    %ne3A_1019 = arith.constant 0 : i32
    %ne3A_1020 = vector.broadcast %ne3A_1019 : i32 to vector<16xi32>
    %ne3A_1021 = arith.cmpi ne, %select_n3A_917, %ne3A_1020 : vector<16xi32>
    %and3A_1022 = arith.andi %eq3A_1018, %ne3A_1021 : vector<16xi1>
    %jit3A_1023 = arith.constant 0 : i32
    %broadcast_in_dim3A_1024 = vector.broadcast %jit3A_1023 : i32 to vector<16xi32>
    %select_n3A_1025 = arith.select %and3A_1022, %broadcast_in_dim3A_1024, %select_n3A_1017 : vector<16xi1>, vector<16xi32>
    %eq3A_1026 = arith.constant 0 : i32
    %eq3A_1027 = vector.broadcast %eq3A_1026 : i32 to vector<16xi32>
    %eq3A_1028 = arith.cmpi eq, %select_n3A_917, %eq3A_1027 : vector<16xi32>
    %select_n3A_1029 = arith.select %eq3A_1028, %broadcast_in_dim3A_34, %broadcast_in_dim3A_36 : vector<16xi1>, vector<16xf32>
    %add3A_1030 = arith.addf %add3A_766, %select_n3A_1029 : vector<16xf32>
    %eq3A_1031 = arith.constant 0 : i32
    %eq3A_1032 = vector.broadcast %eq3A_1031 : i32 to vector<16xi32>
    %eq3A_1033 = arith.cmpi eq, %select_n3A_1025, %eq3A_1032 : vector<16xi32>
    %select_n3A_1034 = arith.select %eq3A_1033, %broadcast_in_dim3A_34, %broadcast_in_dim3A_36 : vector<16xi1>, vector<16xf32>
    %add3A_1035 = arith.addf %add3A_1030, %select_n3A_1034 : vector<16xf32>
    %eq3A_1036 = arith.constant 1 : i32
    %eq3A_1037 = vector.broadcast %eq3A_1036 : i32 to vector<16xi32>
    %eq3A_1038 = arith.cmpi eq, %select_n3A_917, %eq3A_1037 : vector<16xi32>
    %select_n3A_1039 = arith.select %eq3A_1038, %broadcast_in_dim3A_34, %broadcast_in_dim3A_36 : vector<16xi1>, vector<16xf32>
    %add3A_1040 = arith.addf %add3A_776, %select_n3A_1039 : vector<16xf32>
    %eq3A_1041 = arith.constant 1 : i32
    %eq3A_1042 = vector.broadcast %eq3A_1041 : i32 to vector<16xi32>
    %eq3A_1043 = arith.cmpi eq, %select_n3A_1025, %eq3A_1042 : vector<16xi32>
    %select_n3A_1044 = arith.select %eq3A_1043, %broadcast_in_dim3A_34, %broadcast_in_dim3A_36 : vector<16xi1>, vector<16xf32>
    %add3A_1045 = arith.addf %add3A_1040, %select_n3A_1044 : vector<16xf32>
    %eq3A_1046 = arith.constant 2 : i32
    %eq3A_1047 = vector.broadcast %eq3A_1046 : i32 to vector<16xi32>
    %eq3A_1048 = arith.cmpi eq, %select_n3A_917, %eq3A_1047 : vector<16xi32>
    %select_n3A_1049 = arith.select %eq3A_1048, %broadcast_in_dim3A_34, %broadcast_in_dim3A_36 : vector<16xi1>, vector<16xf32>
    %add3A_1050 = arith.addf %add3A_786, %select_n3A_1049 : vector<16xf32>
    %eq3A_1051 = arith.constant 2 : i32
    %eq3A_1052 = vector.broadcast %eq3A_1051 : i32 to vector<16xi32>
    %eq3A_1053 = arith.cmpi eq, %select_n3A_1025, %eq3A_1052 : vector<16xi32>
    %select_n3A_1054 = arith.select %eq3A_1053, %broadcast_in_dim3A_34, %broadcast_in_dim3A_36 : vector<16xi1>, vector<16xf32>
    %add3A_1055 = arith.addf %add3A_1050, %select_n3A_1054 : vector<16xf32>
    %eq3A_1056 = arith.constant 3 : i32
    %eq3A_1057 = vector.broadcast %eq3A_1056 : i32 to vector<16xi32>
    %eq3A_1058 = arith.cmpi eq, %select_n3A_917, %eq3A_1057 : vector<16xi32>
    %select_n3A_1059 = arith.select %eq3A_1058, %broadcast_in_dim3A_34, %broadcast_in_dim3A_36 : vector<16xi1>, vector<16xf32>
    %add3A_1060 = arith.addf %add3A_796, %select_n3A_1059 : vector<16xf32>
    %eq3A_1061 = arith.constant 3 : i32
    %eq3A_1062 = vector.broadcast %eq3A_1061 : i32 to vector<16xi32>
    %eq3A_1063 = arith.cmpi eq, %select_n3A_1025, %eq3A_1062 : vector<16xi32>
    %select_n3A_1064 = arith.select %eq3A_1063, %broadcast_in_dim3A_34, %broadcast_in_dim3A_36 : vector<16xi1>, vector<16xf32>
    %add3A_1065 = arith.addf %add3A_1060, %select_n3A_1064 : vector<16xf32>
    %eq3A_1066 = arith.constant 4 : i32
    %eq3A_1067 = vector.broadcast %eq3A_1066 : i32 to vector<16xi32>
    %eq3A_1068 = arith.cmpi eq, %select_n3A_917, %eq3A_1067 : vector<16xi32>
    %select_n3A_1069 = arith.select %eq3A_1068, %broadcast_in_dim3A_34, %broadcast_in_dim3A_36 : vector<16xi1>, vector<16xf32>
    %add3A_1070 = arith.addf %add3A_806, %select_n3A_1069 : vector<16xf32>
    %eq3A_1071 = arith.constant 4 : i32
    %eq3A_1072 = vector.broadcast %eq3A_1071 : i32 to vector<16xi32>
    %eq3A_1073 = arith.cmpi eq, %select_n3A_1025, %eq3A_1072 : vector<16xi32>
    %select_n3A_1074 = arith.select %eq3A_1073, %broadcast_in_dim3A_34, %broadcast_in_dim3A_36 : vector<16xi1>, vector<16xf32>
    %add3A_1075 = arith.addf %add3A_1070, %select_n3A_1074 : vector<16xf32>
    %eq3A_1076 = arith.constant 5 : i32
    %eq3A_1077 = vector.broadcast %eq3A_1076 : i32 to vector<16xi32>
    %eq3A_1078 = arith.cmpi eq, %select_n3A_917, %eq3A_1077 : vector<16xi32>
    %select_n3A_1079 = arith.select %eq3A_1078, %broadcast_in_dim3A_34, %broadcast_in_dim3A_36 : vector<16xi1>, vector<16xf32>
    %add3A_1080 = arith.addf %add3A_816, %select_n3A_1079 : vector<16xf32>
    %eq3A_1081 = arith.constant 5 : i32
    %eq3A_1082 = vector.broadcast %eq3A_1081 : i32 to vector<16xi32>
    %eq3A_1083 = arith.cmpi eq, %select_n3A_1025, %eq3A_1082 : vector<16xi32>
    %select_n3A_1084 = arith.select %eq3A_1083, %broadcast_in_dim3A_34, %broadcast_in_dim3A_36 : vector<16xi1>, vector<16xf32>
    %add3A_1085 = arith.addf %add3A_1080, %select_n3A_1084 : vector<16xf32>
    %eq3A_1086 = arith.constant 6 : i32
    %eq3A_1087 = vector.broadcast %eq3A_1086 : i32 to vector<16xi32>
    %eq3A_1088 = arith.cmpi eq, %select_n3A_917, %eq3A_1087 : vector<16xi32>
    %select_n3A_1089 = arith.select %eq3A_1088, %broadcast_in_dim3A_34, %broadcast_in_dim3A_36 : vector<16xi1>, vector<16xf32>
    %add3A_1090 = arith.addf %add3A_826, %select_n3A_1089 : vector<16xf32>
    %eq3A_1091 = arith.constant 6 : i32
    %eq3A_1092 = vector.broadcast %eq3A_1091 : i32 to vector<16xi32>
    %eq3A_1093 = arith.cmpi eq, %select_n3A_1025, %eq3A_1092 : vector<16xi32>
    %select_n3A_1094 = arith.select %eq3A_1093, %broadcast_in_dim3A_34, %broadcast_in_dim3A_36 : vector<16xi1>, vector<16xf32>
    %add3A_1095 = arith.addf %add3A_1090, %select_n3A_1094 : vector<16xf32>
    %eq3A_1096 = arith.constant 7 : i32
    %eq3A_1097 = vector.broadcast %eq3A_1096 : i32 to vector<16xi32>
    %eq3A_1098 = arith.cmpi eq, %select_n3A_917, %eq3A_1097 : vector<16xi32>
    %select_n3A_1099 = arith.select %eq3A_1098, %broadcast_in_dim3A_34, %broadcast_in_dim3A_36 : vector<16xi1>, vector<16xf32>
    %add3A_1100 = arith.addf %add3A_836, %select_n3A_1099 : vector<16xf32>
    %eq3A_1101 = arith.constant 7 : i32
    %eq3A_1102 = vector.broadcast %eq3A_1101 : i32 to vector<16xi32>
    %eq3A_1103 = arith.cmpi eq, %select_n3A_1025, %eq3A_1102 : vector<16xi32>
    %select_n3A_1104 = arith.select %eq3A_1103, %broadcast_in_dim3A_34, %broadcast_in_dim3A_36 : vector<16xi1>, vector<16xf32>
    %add3A_1105 = arith.addf %add3A_1100, %select_n3A_1104 : vector<16xf32>
    %swap3A = arith.constant 0 : i32
    %swap3A_1106 = arith.index_cast %swap3A : i32 to index
    %swap3A_1107 = arith.constant 0 : index
    %swap3A_1108 = tpu.vector_load %arg5[%swap3A_1106, %swap3A_1107] {strides = array<i32>} : memref<8x16xf32, #tpu.memory_space<vmem>>, vector<1x16xf32>,
    %swap3A_1109 = vector.shape_cast %swap3A_1108 : vector<1x16xf32> to vector<16xf32>
    %swap3A_1110 = vector.shape_cast %add3A_1035 : vector<16xf32> to vector<1x16xf32>
    tpu.vector_store %arg5[%swap3A_1106, %swap3A_1107], %swap3A_1110 {strides = array<i32>} : memref<8x16xf32, #tpu.memory_space<vmem>>, vector<1x16xf32>,
    %swap3A_1111 = arith.constant 1 : i32
    %swap3A_1112 = arith.index_cast %swap3A_1111 : i32 to index
    %swap3A_1113 = arith.constant 0 : index
    %swap3A_1114 = tpu.vector_load %arg5[%swap3A_1112, %swap3A_1113] {strides = array<i32>} : memref<8x16xf32, #tpu.memory_space<vmem>>, vector<1x16xf32>,
    %swap3A_1115 = vector.shape_cast %swap3A_1114 : vector<1x16xf32> to vector<16xf32>
    %swap3A_1116 = vector.shape_cast %add3A_1045 : vector<16xf32> to vector<1x16xf32>
    tpu.vector_store %arg5[%swap3A_1112, %swap3A_1113], %swap3A_1116 {strides = array<i32>} : memref<8x16xf32, #tpu.memory_space<vmem>>, vector<1x16xf32>,
    %swap3A_1117 = arith.constant 2 : i32
    %swap3A_1118 = arith.index_cast %swap3A_1117 : i32 to index
    %swap3A_1119 = arith.constant 0 : index
    %swap3A_1120 = tpu.vector_load %arg5[%swap3A_1118, %swap3A_1119] {strides = array<i32>} : memref<8x16xf32, #tpu.memory_space<vmem>>, vector<1x16xf32>,
    %swap3A_1121 = vector.shape_cast %swap3A_1120 : vector<1x16xf32> to vector<16xf32>
    %swap3A_1122 = vector.shape_cast %add3A_1055 : vector<16xf32> to vector<1x16xf32>
    tpu.vector_store %arg5[%swap3A_1118, %swap3A_1119], %swap3A_1122 {strides = array<i32>} : memref<8x16xf32, #tpu.memory_space<vmem>>, vector<1x16xf32>,
    %swap3A_1123 = arith.constant 3 : i32
    %swap3A_1124 = arith.index_cast %swap3A_1123 : i32 to index
    %swap3A_1125 = arith.constant 0 : index
    %swap3A_1126 = tpu.vector_load %arg5[%swap3A_1124, %swap3A_1125] {strides = array<i32>} : memref<8x16xf32, #tpu.memory_space<vmem>>, vector<1x16xf32>,
    %swap3A_1127 = vector.shape_cast %swap3A_1126 : vector<1x16xf32> to vector<16xf32>
    %swap3A_1128 = vector.shape_cast %add3A_1065 : vector<16xf32> to vector<1x16xf32>
    tpu.vector_store %arg5[%swap3A_1124, %swap3A_1125], %swap3A_1128 {strides = array<i32>} : memref<8x16xf32, #tpu.memory_space<vmem>>, vector<1x16xf32>,
    %swap3A_1129 = arith.constant 4 : i32
    %swap3A_1130 = arith.index_cast %swap3A_1129 : i32 to index
    %swap3A_1131 = arith.constant 0 : index
    %swap3A_1132 = tpu.vector_load %arg5[%swap3A_1130, %swap3A_1131] {strides = array<i32>} : memref<8x16xf32, #tpu.memory_space<vmem>>, vector<1x16xf32>,
    %swap3A_1133 = vector.shape_cast %swap3A_1132 : vector<1x16xf32> to vector<16xf32>
    %swap3A_1134 = vector.shape_cast %add3A_1075 : vector<16xf32> to vector<1x16xf32>
    tpu.vector_store %arg5[%swap3A_1130, %swap3A_1131], %swap3A_1134 {strides = array<i32>} : memref<8x16xf32, #tpu.memory_space<vmem>>, vector<1x16xf32>,
    %swap3A_1135 = arith.constant 5 : i32
    %swap3A_1136 = arith.index_cast %swap3A_1135 : i32 to index
    %swap3A_1137 = arith.constant 0 : index
    %swap3A_1138 = tpu.vector_load %arg5[%swap3A_1136, %swap3A_1137] {strides = array<i32>} : memref<8x16xf32, #tpu.memory_space<vmem>>, vector<1x16xf32>,
    %swap3A_1139 = vector.shape_cast %swap3A_1138 : vector<1x16xf32> to vector<16xf32>
    %swap3A_1140 = vector.shape_cast %add3A_1085 : vector<16xf32> to vector<1x16xf32>
    tpu.vector_store %arg5[%swap3A_1136, %swap3A_1137], %swap3A_1140 {strides = array<i32>} : memref<8x16xf32, #tpu.memory_space<vmem>>, vector<1x16xf32>,
    %swap3A_1141 = arith.constant 6 : i32
    %swap3A_1142 = arith.index_cast %swap3A_1141 : i32 to index
    %swap3A_1143 = arith.constant 0 : index
    %swap3A_1144 = tpu.vector_load %arg5[%swap3A_1142, %swap3A_1143] {strides = array<i32>} : memref<8x16xf32, #tpu.memory_space<vmem>>, vector<1x16xf32>,
    %swap3A_1145 = vector.shape_cast %swap3A_1144 : vector<1x16xf32> to vector<16xf32>
    %swap3A_1146 = vector.shape_cast %add3A_1095 : vector<16xf32> to vector<1x16xf32>
    tpu.vector_store %arg5[%swap3A_1142, %swap3A_1143], %swap3A_1146 {strides = array<i32>} : memref<8x16xf32, #tpu.memory_space<vmem>>, vector<1x16xf32>,
    %swap3A_1147 = arith.constant 7 : i32
    %swap3A_1148 = arith.index_cast %swap3A_1147 : i32 to index
    %swap3A_1149 = arith.constant 0 : index
    %swap3A_1150 = tpu.vector_load %arg5[%swap3A_1148, %swap3A_1149] {strides = array<i32>} : memref<8x16xf32, #tpu.memory_space<vmem>>, vector<1x16xf32>,
    %swap3A_1151 = vector.shape_cast %swap3A_1150 : vector<1x16xf32> to vector<16xf32>
    %swap3A_1152 = vector.shape_cast %add3A_1105 : vector<16xf32> to vector<1x16xf32>
    tpu.vector_store %arg5[%swap3A_1148, %swap3A_1149], %swap3A_1152 {strides = array<i32>} : memref<8x16xf32, #tpu.memory_space<vmem>>, vector<1x16xf32>,
    "tpu.region"() ({
      %run_scoped3A_1153 = tpu.sem_alloc : memref<!tpu.dma_semaphore, #tpu.memory_space<semaphore_mem>>
      %dma_start3A = arith.constant 0 : i32
      %dma_start3A_1154 = arith.constant 0 : i32
      %dma_start3A_1155 = tpu.memref_slice %arg3[%add3A, %dma_start3A, %dma_start3A_1154] : memref<32x8x16xf32, #tpu.memory_space<hbm>> -> memref<1x8x16xf32, #tpu.memory_space<hbm>>
      %dma_start3A_1156 = tpu.memref_squeeze %dma_start3A_1155 : memref<1x8x16xf32, #tpu.memory_space<hbm>> -> memref<8x16xf32, #tpu.memory_space<hbm>>
      %dma_start3A_1157 = arith.constant 0 : i32
      %dma_start3A_1158 = arith.constant 0 : i32
      %dma_start3A_1159 = tpu.memref_slice %arg3[%add3A, %dma_start3A_1157, %dma_start3A_1158] : memref<32x8x16xf32, #tpu.memory_space<hbm>> -> memref<1x8x16xf32, #tpu.memory_space<hbm>>
      %dma_start3A_1160 = tpu.memref_squeeze %dma_start3A_1159 : memref<1x8x16xf32, #tpu.memory_space<hbm>> -> memref<8x16xf32, #tpu.memory_space<hbm>>
      tpu.enqueue_dma source(%arg5 : memref<8x16xf32, #tpu.memory_space<vmem>>) target(%dma_start3A_1160 : memref<8x16xf32, #tpu.memory_space<hbm>>) target_semaphore(%run_scoped3A_1153 : memref<!tpu.dma_semaphore, #tpu.memory_space<semaphore_mem>>)
      %dma_wait3A = arith.constant 0 : i32
      %dma_wait3A_1161 = arith.constant 0 : i32
      %dma_wait3A_1162 = tpu.memref_slice %arg3[%add3A, %dma_wait3A, %dma_wait3A_1161] : memref<32x8x16xf32, #tpu.memory_space<hbm>> -> memref<1x8x16xf32, #tpu.memory_space<hbm>>
      %dma_wait3A_1163 = tpu.memref_squeeze %dma_wait3A_1162 : memref<1x8x16xf32, #tpu.memory_space<hbm>> -> memref<8x16xf32, #tpu.memory_space<hbm>>
      %dma_wait3A_1164 = arith.constant 0 : i32
      %dma_wait3A_1165 = arith.constant 0 : i32
      %dma_wait3A_1166 = tpu.memref_slice %arg3[%add3A, %dma_wait3A_1164, %dma_wait3A_1165] : memref<32x8x16xf32, #tpu.memory_space<hbm>> -> memref<1x8x16xf32, #tpu.memory_space<hbm>>
      %dma_wait3A_1167 = tpu.memref_squeeze %dma_wait3A_1166 : memref<1x8x16xf32, #tpu.memory_space<hbm>> -> memref<8x16xf32, #tpu.memory_space<hbm>>
      tpu.wait_dma2 semaphore(%run_scoped3A_1153 : memref<!tpu.dma_semaphore, #tpu.memory_space<semaphore_mem>>) src(%arg5 : memref<8x16xf32, #tpu.memory_space<vmem>>) dst(%dma_wait3A_1167 : memref<8x16xf32, #tpu.memory_space<hbm>>)
      tpu.yield
    }) : () -> ()
    return
  }
}

module attributes {stable_mosaic.version = 14 : i64} {
  func.func @_gate_kernel(%arg0: memref<2048x768xf32, #tpu.memory_space<vmem>>, %arg1: memref<8x768xf32, #tpu.memory_space<vmem>>, %arg2: memref<8x1xf32, #tpu.memory_space<vmem>>, %arg3: memref<8x2048xf32, #tpu.memory_space<vmem>>) attributes {dimension_semantics = [], scalar_prefetch = 0 : i64, scratch_operands = 0 : i64, tpu.core_type = #tpu.core_type<tc>} {
    %get3A = arith.constant 0 : index
    %get3A_0 = arith.constant 0 : index
    %get3A_1 = vector.load %arg1[%get3A, %get3A_0] : memref<8x768xf32, #tpu.memory_space<vmem>>, vector<8x768xf32>
    %get3A_2 = arith.constant 0 : index
    %get3A_3 = arith.constant 0 : index
    %get3A_4 = vector.load %arg0[%get3A_2, %get3A_3] : memref<2048x768xf32, #tpu.memory_space<vmem>>, vector<2048x768xf32>
    %dot_general3A = arith.constant dense<0.000000e+00> : vector<8x2048xf32>
    %dot_general3A_5 = tpu.matmul %get3A_1, %get3A_4, %dot_general3A {dimension_numbers = #tpu.dot_dimension_numbers<[1], [1], [0], [0], [0, 0, 1, 0], [], []>, transpose_lhs_hint = false} : vector<8x768xf32>, vector<2048x768xf32>, vector<8x2048xf32> -> vector<8x2048xf32>
    %get3A_6 = arith.constant 0 : index
    %get3A_7 = arith.constant 0 : index
    %get3A_8 = vector.load %arg2[%get3A_6, %get3A_7] : memref<8x1xf32, #tpu.memory_space<vmem>>, vector<8x1xf32>
    %add3A = vector.broadcast %get3A_8 : vector<8x1xf32> to vector<8x2048xf32>
    %add3A_9 = arith.addf %dot_general3A_5, %add3A : vector<8x2048xf32>
    %swap3A = arith.constant 0 : index
    %swap3A_10 = arith.constant 0 : index
    %swap3A_11 = vector.load %arg3[%swap3A, %swap3A_10] : memref<8x2048xf32, #tpu.memory_space<vmem>>, vector<8x2048xf32>
    tpu.vector_store %arg3[%swap3A, %swap3A_10], %add3A_9 {strides = array<i32>} : memref<8x2048xf32, #tpu.memory_space<vmem>>, vector<8x2048xf32>,
    return
  }
}

module attributes {stable_mosaic.version = 14 : i64} {
  func.func @_expert_acc_kernel(%arg0: i32, %arg1: memref<256x16xf32, #tpu.memory_space<vmem>>, %arg2: memref<2048x768xf32, #tpu.memory_space<vmem>>, %arg3: memref<1x768x768xf32, #tpu.memory_space<vmem>>, %arg4: memref<1x1x768xf32, #tpu.memory_space<vmem>>, %arg5: memref<2048x768xf32, #tpu.memory_space<vmem>>) attributes {dimension_semantics = [#tpu.dimension_semantics<arbitrary>], iteration_bounds = array<i64: 8>, scalar_prefetch = 0 : i64, scratch_operands = 0 : i64, tpu.core_type = #tpu.core_type<tc>, window_params = [{pipeline_mode = #tpu.pipeline_mode<synchronous>, transform_indices = @transform_0, window_bounds = array<i64: 256, 16>}, {pipeline_mode = #tpu.pipeline_mode<synchronous>, transform_indices = @transform_1, window_bounds = array<i64: 2048, 768>}, {transform_indices = @transform_2, window_bounds = array<i64: 1, 768, 768>}, {transform_indices = @transform_3, window_bounds = array<i64: 1, 1, 768>}, {pipeline_mode = #tpu.pipeline_mode<synchronous>, transform_indices = @transform_4, window_bounds = array<i64: 2048, 768>}]} {
    %get3A = arith.constant 0 : index
    %get3A_0 = arith.constant 0 : index
    %get3A_1 = arith.constant 0 : index
    %get3A_2 = vector.load %arg3[%get3A, %get3A_0, %get3A_1] : memref<1x768x768xf32, #tpu.memory_space<vmem>>, vector<1x768x768xf32>
    %get3A_3 = vector.shape_cast %get3A_2 : vector<1x768x768xf32> to vector<768x768xf32>
    %get3A_4 = arith.constant 0 : index
    %get3A_5 = arith.constant 0 : index
    %get3A_6 = vector.load %arg2[%get3A_4, %get3A_5] : memref<2048x768xf32, #tpu.memory_space<vmem>>, vector<2048x768xf32>
    %dot_general3A = arith.constant dense<0.000000e+00> : vector<2048x768xf32>
    %dot_general3A_7 = tpu.matmul %get3A_6, %get3A_3, %dot_general3A {dimension_numbers = #tpu.dot_dimension_numbers<[1], [1], [0], [0], [0, 0, 1, 0], [], []>, transpose_lhs_hint = false} : vector<2048x768xf32>, vector<768x768xf32>, vector<2048x768xf32> -> vector<2048x768xf32>
    %get3A_8 = arith.constant 0 : index
    %get3A_9 = arith.constant 0 : index
    %get3A_10 = arith.constant 0 : index
    %get3A_11 = vector.load %arg4[%get3A_8, %get3A_9, %get3A_10] : memref<1x1x768xf32, #tpu.memory_space<vmem>>, vector<1x1x768xf32>
    %get3A_12 = vector.shape_cast %get3A_11 : vector<1x1x768xf32> to vector<1x768xf32>
    %add3A = vector.broadcast %get3A_12 : vector<1x768xf32> to vector<2048x768xf32>
    %add3A_13 = arith.addf %dot_general3A_7, %add3A : vector<2048x768xf32>
    %max3A = arith.constant 0.000000e+00 : f32
    %max3A_14 = vector.broadcast %max3A : f32 to vector<2048x768xf32>
    %max3A_15 = arith.maximumf %add3A_13, %max3A_14 : vector<2048x768xf32>
    %get3A_16 = arith.constant 0 : index
    %get3A_17 = arith.constant 0 : index
    %get3A_18 = vector.load %arg1[%get3A_16, %get3A_17] : memref<256x16xf32, #tpu.memory_space<vmem>>, vector<256x16xf32>
    %iota3A = tpu.iota {dimensions = array<i32: 0>} : vector<256x16xi32>
    %jit3A = arith.constant 8 : i32
    %eq3A = arith.constant 0 : i32
    %eq3A_19 = arith.cmpi eq, %jit3A, %eq3A : i32
    %jit3A_20 = arith.constant 1 : i32
    %select_n3A = arith.select %eq3A_19, %jit3A_20, %jit3A : i32
    %rem3A = vector.broadcast %select_n3A : i32 to vector<256x16xi32>
    %rem3A_21 = arith.remsi %iota3A, %rem3A : vector<256x16xi32>
    %ne3A = arith.constant 0 : i32
    %ne3A_22 = vector.broadcast %ne3A : i32 to vector<256x16xi32>
    %ne3A_23 = arith.cmpi ne, %rem3A_21, %ne3A_22 : vector<256x16xi32>
    %lt3A = arith.constant 0 : i32
    %lt3A_24 = vector.broadcast %lt3A : i32 to vector<256x16xi32>
    %lt3A_25 = arith.cmpi slt, %rem3A_21, %lt3A_24 : vector<256x16xi32>
    %lt3A_26 = arith.constant 0 : i32
    %lt3A_27 = arith.cmpi slt, %select_n3A, %lt3A_26 : i32
    %ne3A_28 = vector.broadcast %lt3A_27 : i1 to vector<256x16xi1>
    %ne3A_29 = vector.broadcast %ne3A_28 : vector<256x16xi1> to vector<256x16xi1>
    %ne3A_30 = arith.xori %lt3A_25, %ne3A_29 : vector<256x16xi1>
    %and3A = arith.andi %ne3A_30, %ne3A_23 : vector<256x16xi1>
    %add3A_31 = vector.broadcast %select_n3A : i32 to vector<256x16xi32>
    %add3A_32 = arith.addi %rem3A_21, %add3A_31 : vector<256x16xi32>
    %select_n3A_33 = arith.select %and3A, %add3A_32, %rem3A_21 : vector<256x16xi1>, vector<256x16xi32>
    %eq3A_34 = vector.broadcast %arg0 : i32 to vector<256x16xi32>
    %eq3A_35 = arith.cmpi eq, %select_n3A_33, %eq3A_34 : vector<256x16xi32>
    %jit3A_36 = arith.constant 0.000000e+00 : f32
    %broadcast_in_dim3A = vector.broadcast %jit3A_36 : f32 to vector<256x16xf32>
    %select_n3A_37 = arith.select %eq3A_35, %get3A_18, %broadcast_in_dim3A : vector<256x16xi1>, vector<256x16xf32>
    %reduce_sum3A = vector.shape_cast %select_n3A_37 : vector<256x16xf32> to vector<1x256x16xf32>
    %reduce_sum3A_38 = arith.constant dense<0.000000e+00> : vector<1xf32>
    %reduce_sum3A_39 = vector.multi_reduction <add>, %reduce_sum3A, %reduce_sum3A_38 [1, 2] : vector<1x256x16xf32> to vector<1xf32>
    %reduce_sum3A_40 = vector.shape_cast %reduce_sum3A_39 : vector<1xf32> to vector<1x1x1xf32>
    %reduce_sum3A_41 = vector.extract %reduce_sum3A_40[0, 0, 0] : f32 from vector<1x1x1xf32>
    %broadcast_in_dim3A_42 = vector.broadcast %reduce_sum3A_41 : f32 to vector<1x1xf32>
    %mul3A = arith.constant 2.44140625E-4 : f32
    %mul3A_43 = vector.broadcast %mul3A : f32 to vector<1x1xf32>
    %mul3A_44 = arith.mulf %broadcast_in_dim3A_42, %mul3A_43 : vector<1x1xf32>
    %mul3A_45 = vector.broadcast %mul3A_44 : vector<1x1xf32> to vector<2048x768xf32>
    %mul3A_46 = arith.mulf %max3A_15, %mul3A_45 : vector<2048x768xf32>
    %eq3A_47 = arith.constant 0 : i32
    %eq3A_48 = arith.cmpi eq, %arg0, %eq3A_47 : i32
    %convert_element_type3A = arith.extui %eq3A_48 : i1 to i32
    %cond3A = arith.constant 0 : i32
    %cond3A_49 = arith.cmpi ne, %convert_element_type3A, %cond3A : i32
    scf.if %cond3A_49 {
      %swap3A = arith.constant 0 : index
      %swap3A_54 = arith.constant 0 : index
      %swap3A_55 = vector.load %arg5[%swap3A, %swap3A_54] : memref<2048x768xf32, #tpu.memory_space<vmem>>, vector<2048x768xf32>
      tpu.vector_store %arg5[%swap3A, %swap3A_54], %mul3A_46 {strides = array<i32>} : memref<2048x768xf32, #tpu.memory_space<vmem>>, vector<2048x768xf32>,
    } else {
    }
    %gt3A = arith.constant 0 : i32
    %gt3A_50 = arith.cmpi sgt, %arg0, %gt3A : i32
    %convert_element_type3A_51 = arith.extui %gt3A_50 : i1 to i32
    %cond3A_52 = arith.constant 0 : i32
    %cond3A_53 = arith.cmpi ne, %convert_element_type3A_51, %cond3A_52 : i32
    scf.if %cond3A_53 {
      %get3A_54 = arith.constant 0 : index
      %get3A_55 = arith.constant 0 : index
      %get3A_56 = vector.load %arg5[%get3A_54, %get3A_55] : memref<2048x768xf32, #tpu.memory_space<vmem>>, vector<2048x768xf32>
      %add3A_57 = arith.addf %get3A_56, %mul3A_46 : vector<2048x768xf32>
      %swap3A = arith.constant 0 : index
      %swap3A_58 = arith.constant 0 : index
      %swap3A_59 = vector.load %arg5[%swap3A, %swap3A_58] : memref<2048x768xf32, #tpu.memory_space<vmem>>, vector<2048x768xf32>
      tpu.vector_store %arg5[%swap3A, %swap3A_58], %add3A_57 {strides = array<i32>} : memref<2048x768xf32, #tpu.memory_space<vmem>>, vector<2048x768xf32>,
    } else {
    }
    return
  }
  func.func @transform_0(%arg0: i32) -> (i32, i32) {
    %c0_i32 = arith.constant 0 : i32
    %c0_i32_0 = arith.constant 0 : i32
    %c0_i32_1 = arith.constant 0 : i32
    return %c0_i32, %c0_i32_0 : i32, i32
  }
  func.func @transform_1(%arg0: i32) -> (i32, i32) {
    %c0_i32 = arith.constant 0 : i32
    %c0_i32_0 = arith.constant 0 : i32
    %c0_i32_1 = arith.constant 0 : i32
    return %c0_i32, %c0_i32_0 : i32, i32
  }
  func.func @transform_2(%arg0: i32) -> (i32, i32, i32) {
    %c0_i32 = arith.constant 0 : i32
    %c0_i32_0 = arith.constant 0 : i32
    %c0_i32_1 = arith.constant 0 : i32
    return %arg0, %c0_i32, %c0_i32_0 : i32, i32, i32
  }
  func.func @transform_3(%arg0: i32) -> (i32, i32, i32) {
    %c0_i32 = arith.constant 0 : i32
    %c0_i32_0 = arith.constant 0 : i32
    %c0_i32_1 = arith.constant 0 : i32
    return %arg0, %c0_i32, %c0_i32_0 : i32, i32, i32
  }
  func.func @transform_4(%arg0: i32) -> (i32, i32) {
    %c0_i32 = arith.constant 0 : i32
    %c0_i32_0 = arith.constant 0 : i32
    %c0_i32_1 = arith.constant 0 : i32
    return %c0_i32, %c0_i32_0 : i32, i32
  }
}

</mosaic_0001>

<sc_bundles>
// kernel: kernel.5.cloned.1.call-start
scs
__scs_entry_jumppad:
0x0: {  	(pc) =	sbr.rel $0x88, $3  }
0x1: {  	(tag) =	ssettag $0x0;
	lr =	simm.s32 $0x1  }
0x2: {  	[smem:$0x3F9C] =	sst lr;
	_ =	strace $0xD0000000  }
0x3: {  	_ = 	snop  }
0x4: {  	_ = 	snop  }
0x5: {  	_ = 	snop  }
0x6: {  	_ = 	snop  }
0x7: {  	_ = 	snop  }
__scs_overlays_trampoline_lowered:
0x8: {  	[smem:$0x3FAB] =	sst s0  }
0x9: {  	[smem:$0x3FAC] =	sst s1  }
0xa: {  	[smem:$0x3FAD] =	sst s2  }
0xb: {  	[smem:$0x3FAE] =	sst s3  }
0xc: {  	[smem:$0x3FAF] =	sst s4  }
0xd: {  	[smem:$0x3FB0] =	sst s5  }
0xe: {  	[smem:$0x3FB1] =	sst s6  }
0xf: {  	[smem:$0x3FB2] =	sst s7  }
0x10: {  	[smem:$0x3FB3] =	sst s8  }
0x11: {  	[smem:$0x3FB4] =	sst s9;
	s0 =	simm.s32 @!p0 $0x0  }
0x12: {  	s1 =	sld [smem:$0x3F9A];
	s0 =	simm.s32 @p0 $0x1  }
0x13: {  	[smem:$0x3FB5] =	sst s0;
	s0 =	simm.s32 @!p1 $0x0  }
0x14: {  	s2 =	sld [smem:$0x3F99];
	s0 =	simm.s32 @p1 $0x1  }
0x15: {  	[smem:$0x3FB6] =	sst s0;
	s0 =	simm.s32 @!p2 $0x0  }
0x16: {  	s3 =	sld [smem:$0x3FDB];
	s0 =	simm.s32 @p2 $0x1  }
0x17: {  	s4 =	simm.s32 $0x1BF5;
	[smem:$0x3FB8] =	sst s0  }
0x18: {  	s0 =	sld [smem:$0x3F9B];
	_ =	swait.ge [sflag:s4], $0x0  }
0x19: {  	s7 =	sld [smem:$0x3F9C]  }
0x1a: {  	s8 =	sadd.s32 $0xFFFFE003, lr  }
0x1b: {  	s9 =	sadd.s32 $0xFFFFFEF7, lr;
	s5 =	simm.s32 $0xFFFFFFFF;
	p2 =	slt.u32 s8, $0xFFFFF086  }
0x1c: {  	p1 =	slt.u32 s9, $0xF7A;
	s5 =	simm.s32 @!p2 $0x0  }
0x1d: {  	s5 =	simm.s32 @p1 $0x1;
	p0 =	seq.s32 s7, s2  }
0x1e: {  	s7 =	smul.u32 @!p0 $0xF7A, s2;
	p2 =	seq.s32 @!p0 s5, $0x0  }
0x1f: {  	s9 =	smul.u32 $0xF7A, s1;
	s8 =	simm.s32 @!p0 $0x1BF5;
	p2 =	por !p2, p0  }
0x20: {  	[sflag:s8] =	ssyncset.s32 @!p0 $0xFFFFF086;
	s6 =	sadd.s32 @!p0 s3, s7;
	s7 =	simm.s32 @!p0 $0x108  }
0x21: {  	s3 =	sadd.s32 s3, s9;
	s6 =	sadd.s32 @!p0 $0x88, s6;
	s7 =	simm.s32 @p2 $0x1082  }
0x22: {  	[simem:s7], [sflag:s8] =	dma.local @!p0 [hbm:s6], $0xF7A  }
0x23: {  	s9 =	sor.u32 $0xD0000000, s2;
	s6 =	simm.s32 $0x108;
	_ =	swait.ge @!p0 [sflag:s8], $0x0  }
0x24: {  	s3 =	sadd.s32 $0x88, s3;
	s6 =	simm.s32 @!p1 $0x1082;
	[sflag:s4] =	ssyncset.s32 $0xFFFFF086  }
0x25: {  	[simem:s6], [sflag:s4] =	dma.local [hbm:s3], $0xF7A  }
0x26: {  	[smem:$0x3F9C] =	sst s1;
	(tag) =	ssettag s2;
	_ =	strace s9  }
0x27: {  	s1 =	sld [smem:$0x3FAC]  }
0x28: {  	s2 =	sld [smem:$0x3FAD]  }
0x29: {  	s4 =	sld [smem:$0x3FAF]  }
0x2a: {  	p0 =	seq.s32 s5, $0x0;
	s5 =	sld [smem:$0x3FB0]  }
0x2b: {  	s6 =	sld [smem:$0x3FB1]  }
0x2c: {  	s7 =	sld [smem:$0x3FB2]  }
0x2d: {  	s3 =	simm.s32 $0x108;
	s8 =	sld [smem:$0x3FB3]  }
0x2e: {  	s3 =	simm.s32 @!p0 $0x1082;
	s9 =	sld [smem:$0x3FB4]  }
0x2f: {  	lr =	sadd.s32 s0, s3;
	s0 =	sld [smem:$0x3FAB]  }
0x30: {  	s3 =	sld [smem:$0x3FAE]  }
0x31: {  	[smem:$0x3FB7] =	sst s10  }
0x32: {  	s10 =	sld [smem:$0x3FB5];
	_ =	sdelay $0x3  }
0x33: {  	p0 =	seq.s32 s10, $0x1;
	s10 =	sld [smem:$0x3FB7];
	_ =	sdelay $0x3  }
0x34: {  	[smem:$0x3FB7] =	sst s10  }
0x35: {  	s10 =	sld [smem:$0x3FB6];
	_ =	sdelay $0x3  }
0x36: {  	p1 =	seq.s32 s10, $0x1;
	s10 =	sld [smem:$0x3FB7];
	_ =	sdelay $0x3  }
0x37: {  	[smem:$0x3FB7] =	sst s10  }
0x38: {  	s10 =	sld [smem:$0x3FB8]  }
0x39: {  	_ = 	snop;
	(pc) =	sbr.ind lr, $3  }
0x3a: {  	_ = 	snop  }
0x3b: {  	_ = 	snop  }
0x3c: {  	p2 =	seq.s32 s10, $0x1;
	s10 =	sld [smem:$0x3FB7]  }
0x3d: {  	_ =	shalt  }
0x3e: {  	_ =	shalt  }
0x3f: {  	_ =	shalt  }
0x40: {  	_ =	shalt  }
0x41: {  	_ =	shalt  }
0x42: {  	_ =	shalt  }
0x43: {  	_ =	shalt  }
0x44: {  	_ =	shalt  }
0x45: {  	_ =	shalt  }
0x46: {  	_ =	shalt  }
0x47: {  	_ =	shalt  }
0x48: {  	_ =	shalt  }
0x49: {  	_ =	shalt  }
0x4a: {  	_ =	shalt  }
0x4b: {  	_ =	shalt  }
0x4c: {  	_ =	shalt  }
0x4d: {  	_ =	shalt  }
0x4e: {  	_ =	shalt  }
0x4f: {  	_ =	shalt  }
0x50: {  	_ =	shalt  }
0x51: {  	_ =	shalt  }
0x52: {  	_ =	shalt  }
0x53: {  	_ =	shalt  }
0x54: {  	_ =	shalt  }
0x55: {  	_ =	shalt  }
0x56: {  	_ =	shalt  }
0x57: {  	_ =	shalt  }
0x58: {  	_ =	shalt  }
0x59: {  	_ =	shalt  }
0x5a: {  	_ =	shalt  }
0x5b: {  	_ =	shalt  }
0x5c: {  	_ =	shalt  }
0x5d: {  	_ =	shalt  }
0x5e: {  	_ =	shalt  }
0x5f: {  	_ =	shalt  }
0x60: {  	_ =	shalt  }
0x61: {  	_ =	shalt  }
0x62: {  	_ =	shalt  }
0x63: {  	_ =	shalt  }
0x64: {  	_ =	shalt  }
0x65: {  	_ =	shalt  }
0x66: {  	_ =	shalt  }
0x67: {  	_ =	shalt  }
0x68: {  	_ =	shalt  }
0x69: {  	_ =	shalt  }
0x6a: {  	_ =	shalt  }
0x6b: {  	_ =	shalt  }
0x6c: {  	_ =	shalt  }
0x6d: {  	_ =	shalt  }
0x6e: {  	_ =	shalt  }
0x6f: {  	_ =	shalt  }
0x70: {  	_ =	shalt  }
0x71: {  	_ =	shalt  }
0x72: {  	_ =	shalt  }
0x73: {  	_ =	shalt  }
0x74: {  	_ =	shalt  }
0x75: {  	_ =	shalt  }
0x76: {  	_ =	shalt  }
0x77: {  	_ =	shalt  }
0x78: {  	_ =	shalt  }
0x79: {  	_ =	shalt  }
0x7a: {  	_ =	shalt  }
0x7b: {  	_ =	shalt  }
0x7c: {  	_ =	shalt  }
0x7d: {  	_ =	shalt  }
0x7e: {  	_ =	shalt  }
0x7f: {  	_ =	shalt  }
0x80: {  	_ =	shalt  }
0x81: {  	_ =	shalt  }
0x82: {  	_ =	shalt  }
0x83: {  	_ =	shalt  }
0x84: {  	_ =	shalt  }
0x85: {  	_ =	shalt  }
0x86: {  	_ =	shalt  }
0x87: {  	_ =	shalt  }
.Lfunc_end0:
.L_simem_size_0:
called_computation_lowered:
.L_overlay_start_0:
0x88: {  	s2 =	sld [smem:$0x3FD9]  }
0x89: {  	s3 =	sld [smem:$0x3FFE];
	_ =	sdelay $0x1  }
0x8a: {  	s1 =	srdreg.scid  }
0x8b: {  	s0 =	sand.u32 $0x1, s1  }
0x8c: {  	s17 =	sshll.u32 s0, $0xA;
	s2 =	sadd.s32 s3, s2  }
0x8d: {  	s2 =	sadd.s32 s2, s17  }
0x8e: {  	[smem:$0x3FC3] =	sst s2  }
0x8f: {  	_ = 	snop  }
0x90: {  	s2 =	sld [smem:$0x3FD0];
	(tm) =	ssettm $0x1  }
0x91: {  	s18 =	sld [smem:$0x3FFB];
	_ =	sdelay $0x3  }
0x92: {  	_ =	strace s18  }
0x93: {  	s3 =	sld [smem:$0x3FFC];
	_ =	sdelay $0x3  }
0x94: {  	_ =	strace s3  }
0x95: {  	s3 =	sld [smem:$0x3FFD];
	_ =	sdelay $0x3  }
0x96: {  	_ =	strace s3  }
0x97: {  	_ =	strace $0x8FFFFFFF  }
0x98: {  	s19 =	sld [smem:$0x3FDB];
	_ =	sdelay $0x1  }
0x99: {  	s4 =	simm.s32 $_scs_section_size  }
0x9a: {  	s5 =	simm.s32 $_size__tile_overlayer_lowered;
	s6 =	simm.s32 $_tile_overlayer_lowered  }
0x9b: {  	s22 =	simm.s32 $0x1BFF;
	s21 =	sshll.u32 s6, $0x1;
	s3 =	sadd.s32 s4, s19  }
0x9c: {  	s7 =	simm.s32 $0x0;
	s20 =	sshll.u32 s5, $0x1;
	s5 =	sadd.s32 s21, s3  }
0x9d: {  	[timem:s7], [sflag:s22] =	dma.local [hbm:s5], s20  }
0x9e: {  	_ =	swait.ge [sflag:s22], s20  }
0x9f: {  	s4 =	ssub.s32 $0x0, s20;
	[sflag:s22] =	ssyncset.done $0x0  }
0xa0: {  	[sflag:s22] =	ssyncadd.s32 s4;
	_ =	sdelay $0x1  }
0xa1: {  	s23 =	simm.s32 $0x1B8B  }
0xa2: {  	_ =	swait.ge [sflag:s23], $0x1  }
0xa3: {  	[sflag:s23] =	ssyncset.done $0x0  }
0xa4: {  	s25 =	simm.s32 $0x1B8E;
	s24 =	sld [smem:$0x3FFE];
	[sflag:s23] =	ssyncadd.s32 $0xFFFFFFFF  }
0xa5: {  	s26 =	simm.s32 $execute0_lowered;
	[smem:$0x3FD2] =	sst s25  }
0xa6: {  	s5 =	sshll.u32 s26, $0x1;
	_ =	strace $0x80000046;
	[dreg:$0x1] =	wrdreg $0xFFFFFFFF  }
0xa7: {  	s28 =	simm.s32 $_size_execute0_lowered;
	s3 =	sadd.s32 s3, s5;
	[dreg:$0x0] =	wrdreg $0x0  }
0xa8: {  	s5 =	sshll.u32 s28, $0x1;
	[dreg:$0x2] =	wrdreg s3  }
0xa9: {  	[dreg:$0x3] =	wrdreg s5  }
0xaa: {  	[dreg:$0x4] =	wrdreg $0xC0  }
0xab: {  	_ =	task [dreg:s7], $0x5FFFF  }
0xac: {  	[dreg:$0x1] =	wrdreg $0xFFFFFFFF  }
0xad: {  	[dreg:$0x0] =	wrdreg $0x60  }
0xae: {  	[dreg:$0x2] =	wrdreg s24  }
0xaf: {  	[dreg:$0x3] =	wrdreg s2  }
0xb0: {  	[dreg:$0x4] =	wrdreg $0x9  }
0xb1: {  	_ =	task.clear_ibuf [dreg:s7], $0x5FFFF;
	_ =	strace $0x90000046  }
0xb2: {  	s29 =	simm.s32 $0x9;
	_ =	strace $0x80000048  }
0xb3: {  	_ =	swait.ge [sflag:s29], $0x1  }
0xb4: {  	[sflag:s29] =	ssyncadd.s32 $0xFFFFFFFF  }
0xb5: {  	_ =	strace $0x90000048  }
0xb6: {  	_ =	sfence  }
0xb7: {  	s30 =	sld [smem:$0x0];
	_ =	sdelay $0x2  }
0xb8: {  	s31 =	sshll.u32 s1, $0xD;
	s1 =	sshrl.u32 s1, $0x2  }
0xb9: {  	s3 =	sand.u32 $0x4000, s31;
	s1 =	sadd.s32 s1, s30  }
0xba: {  	s0 =	sor.u32 s3, s0;
	s1 =	sshll.u32 s1, $0x11  }
0xbb: {  	s0 =	sor.u32 s1, s0  }
0xbc: {  	s0 =	sadd.s32 $0x8F2B, s0  }
0xbd: {  	[sflag:s0] =	ssyncadd.remote.s32 $0x1  }
0xbe: {  	_ =	sfence.sel $0xFFFF  }
0xbf: {  	[dreg:$0x0] =	wrdreg $0xFFFFFFFF;
	(pc) =	sbr.abs _section_cstart, $3  }
0xc0: {  	[dreg:$0x1] =	wrdreg $0xFFFFFFFF  }
0xc1: {  	_ =	task.clear_ibuf [dreg:s7], $0x2FFFF;
	_ =	strace $0x9FFFFFFF  }
0xc2: {  	(tm) =	ssettm $0x7FFFFFFF  }
0xc3: {  	_ =	shalt  }
tec
execute0_lowered:
.L_overlay_start_1:
0x0: {  	(tag) =	ssettag $0x1  }
0x1: {  	s1 =	srdreg.scid;
	s3 =	rddreg [dreg:$0x0]  }
0x2: {  	s0 =	stileid.u32;
	s11 =	rddreg [dreg:$0x1]  }
0x3: {  	s2 =	simm.s32 $0x0;
	s16 =	simm.s32 $0x180;
	s17 =	simm.s32 $0x200  }
0x4: {  	s18 =	simm.s32 $0x280;
	s19 =	simm.s32 $0x300;
	s20 =	simm.s32 $0x380  }
0x5: {  	s21 =	simm.s32 $0x400;
	s4 =	sand.u32 $0x1, s1;
	s1 =	rddreg [dreg:$0x2]  }
0x6: {  	s29 =	sshll.u32 s0, $0x1;
	[smem:$0x7FF] =	sst s2;
	s12 =	sadd.s32 $0x1000, s3  }
0x7: {  	s10 =	sor.u32 s4, s29;
	s6 =	sshll.u32 s4, $0x6;
	s4 =	ssub.s32 $0x2, s4  }
0x8: {  	_ =	strace $0x80000047;
	s5 =	sshll.u32 s10, $0x9;
	s30 =	sshrl.u32 s4, $0x1  }
0x9: {  	s15 =	sshll.u32 s10, $0x7;
	s7 =	sand.u32 $0x3C00, s5;
	s13 =	ssub.s32 s4, s30  }
0xa: {  	s11 =	sadd.s32 s11, s15;
	s7 =	sor.u32 s6, s7;
	s6 =	sor.u32 s6, s5  }
0xb: {  	s15 =	simm.s32 $0x100;
	s7 =	sshrl.u32 s7, $0x3;
	s14 =	sshrl.u32 s6, $0x3  }
0xc: {  	s3 =	sadd.s32 s12, s7;
	s31 =	sor.u32 $0x40, s14;
	s8 =	sor.u32 $0x50, s14  }
0xd: {  	s9 =	sor.u32 $0x60, s14;
	s14 =	sor.u32 $0x70, s14;
	s4 =	sadd.s32 $0x10, s3  }
0xe: {  	s5 =	sadd.s32 $0x20, s3;
	s6 =	sadd.s32 $0x30, s3;
	s7 =	sadd.s32 s12, s31  }
0xf: {  	s8 =	sadd.s32 s12, s8;
	s9 =	sadd.s32 s12, s9;
	s10 =	sadd.s32 s12, s14  }
0x10: {  	v0 =	vimm.s32 $0x8;
	v1 =	vimm.f32 $1.000000000e+00;
	v2 =	vimm.f32 $0.0e+00;
	s12 =	smax.u32 s13, $0x1;
	s13 =	simm.s32 $0x1;
	s14 =	simm.s32 $0x80  }
.LBB2_1:
0x11: {  	[tilespmem:s2], [sflag:$0x1] =	stream.linear.gather [hbm4b:s3+s2], $0x40, $0x38;
	[tilespmem:$0x800] =	vst v63  }
0x12: {  	_ =	swait.ge [sflag:s13], $0x40  }
0x13: {  	[sflag:s13] =	ssyncset.done $0x0  }
0x14: {  	[sflag:s13] =	ssyncadd.s32 $0xFFFFFFC0  }
0x15: {  	[tilespmem:s14], [sflag:$0x1] =	stream.linear.gather [hbm4b:s4+s2], $0x40, $0x38;
	[tilespmem:$0x800] =	vst v63  }
0x16: {  	_ =	swait.ge [sflag:s13], $0x40  }
0x17: {  	[sflag:s13] =	ssyncset.done $0x0  }
0x18: {  	[sflag:s13] =	ssyncadd.s32 $0xFFFFFFC0  }
0x19: {  	[tilespmem:s15], [sflag:$0x1] =	stream.linear.gather [hbm4b:s5+s2], $0x40, $0x38;
	[tilespmem:$0x800] =	vst v63  }
0x1a: {  	_ =	swait.ge [sflag:s13], $0x40  }
0x1b: {  	[sflag:s13] =	ssyncset.done $0x0  }
0x1c: {  	[sflag:s13] =	ssyncadd.s32 $0xFFFFFFC0  }
0x1d: {  	[tilespmem:s16], [sflag:$0x1] =	stream.linear.gather [hbm4b:s6+s2], $0x40, $0x38;
	[tilespmem:$0x800] =	vst v63  }
0x1e: {  	_ =	swait.ge [sflag:s13], $0x40  }
0x1f: {  	[sflag:s13] =	ssyncset.done $0x0  }
0x20: {  	[sflag:s13] =	ssyncadd.s32 $0xFFFFFFC0  }
0x21: {  	[tilespmem:s17], [sflag:$0x1] =	stream.linear.gather [hbm4b:s7+s2], $0x40, $0x38;
	[tilespmem:$0x800] =	vst v63  }
0x22: {  	_ =	swait.ge [sflag:s13], $0x40  }
0x23: {  	[sflag:s13] =	ssyncset.done $0x0  }
0x24: {  	[sflag:s13] =	ssyncadd.s32 $0xFFFFFFC0  }
0x25: {  	[tilespmem:s18], [sflag:$0x1] =	stream.linear.gather [hbm4b:s8+s2], $0x40, $0x38;
	[tilespmem:$0x800] =	vst v63  }
0x26: {  	_ =	swait.ge [sflag:s13], $0x40  }
0x27: {  	[sflag:s13] =	ssyncset.done $0x0  }
0x28: {  	[sflag:s13] =	ssyncadd.s32 $0xFFFFFFC0  }
0x29: {  	[tilespmem:s19], [sflag:$0x1] =	stream.linear.gather [hbm4b:s9+s2], $0x40, $0x38;
	[tilespmem:$0x800] =	vst v63  }
0x2a: {  	_ =	swait.ge [sflag:s13], $0x40  }
0x2b: {  	[sflag:s13] =	ssyncset.done $0x0  }
0x2c: {  	[sflag:s13] =	ssyncadd.s32 $0xFFFFFFC0  }
0x2d: {  	[tilespmem:s20], [sflag:$0x1] =	stream.linear.gather [hbm4b:s10+s2], $0x40, $0x38;
	[tilespmem:$0x800] =	vst v63  }
0x2e: {  	_ =	swait.ge [sflag:s13], $0x40  }
0x2f: {  	[sflag:s13] =	ssyncset.done $0x0  }
0x30: {  	[sflag:s13] =	ssyncadd.s32 $0xFFFFFFC0  }
0x31: {  	v3 =	vld [tilespmem:$0x0]  }
0x32: {  	v4 =	vld [tilespmem:$0x80]  }
0x33: {  	v5 =	vld [tilespmem:$0x100]  }
0x34: {  	v6 =	vld [tilespmem:$0x180]  }
0x35: {  	v7 =	vld [tilespmem:$0x200]  }
0x36: {  	v8 =	vld [tilespmem:$0x280]  }
0x37: {  	v9 =	vld [tilespmem:$0x300];
	v10 =	vmax.f32 v3, v4  }
0x38: {  	v11 =	vld [tilespmem:$0x380];
	v10 =	vmax.f32 v10, v5  }
0x39: {  	v10 =	vmax.f32 v10, v6  }
0x3a: {  	v10 =	vmax.f32 v10, v7  }
0x3b: {  	v10 =	vmax.f32 v10, v8  }
0x3c: {  	v10 =	vmax.f32 v10, v9  }
0x3d: {  	v60 =	vld [tilespmem:$0x10];
	v10 =	vmax.f32 v10, v11  }
0x3e: {  	v61 =	vld [tilespmem:$0x90];
	vm0 =	veq.f32 v11, v10  }
0x3f: {  	vm7 =	veq.f32 v9, v10;
	v12 =	vsel vm0, $0x7, v0  }
0x40: {  	vm8 =	veq.f32 v8, v10;
	v12 =	vsel vm7, $0x6, v12  }
0x41: {  	vm9 =	veq.f32 v7, v10;
	v12 =	vsel vm8, $0x5, v12  }
0x42: {  	v51 =	vmax.f32 v3, $-3.000000010e+38;
	vm10 =	veq.f32 v6, v10;
	v12 =	vsel vm9, $0x4, v12  }
0x43: {  	v27 =	vmax.f32 v60, v61;
	vm11 =	veq.f32 v5, v10;
	v12 =	vsel vm10, $0x3, v12  }
0x44: {  	vm12 =	veq.f32 v4, v10;
	vm7 =	vne.f32 v3, v10;
	v12 =	vsel vm11, $0x2, v12  }
0x45: {  	v36 =	vmax.f32 v60, $-3.000000010e+38;
	vm6 =	vmand vm7, vm12;
	v12 =	vsel vm12, $0x1, v12  }
0x46: {  	v23 =	vsel vm7, $0x0, v1;
	v13 =	vsel vm6, $0xFF61B1E6, v4;
	v10 =	vnsel vm7, $0x0, v12  }
0x47: {  	v14 =	vsel vm6, $0x3F800000, v2;
	v12 =	vnsel vm7, $0xFF61B1E6, v51;
	vm5 =	veq.s32 v10, $0x2  }
0x48: {  	v12 =	vmax.f32 v12, v13;
	vm4 =	veq.s32 v10, $0x3;
	vm3 =	veq.s32 v10, $0x4  }
0x49: {  	v62 =	vld [tilespmem:$0x110];
	vm2 =	veq.s32 v10, $0x5;
	vm1 =	veq.s32 v10, $0x6;
	v52 =	vsel vm5, $0xFF61B1E6, v5  }
0x4a: {  	vm0 =	veq.s32 v10, $0x7;
	v53 =	vsel vm4, $0xFF61B1E6, v6;
	v12 =	vmax.f32 v12, v52  }
0x4b: {  	vm9 =	vne.s32 v10, $0x7;
	v54 =	vsel vm3, $0xFF61B1E6, v7;
	v12 =	vmax.f32 v12, v53  }
0x4c: {  	vm10 =	vne.s32 v10, $0x6;
	v55 =	vsel vm2, $0xFF61B1E6, v8;
	v12 =	vmax.f32 v12, v54  }
0x4d: {  	vm12 =	vne.s32 v10, $0x5;
	v56 =	vsel vm1, $0xFF61B1E6, v9;
	v12 =	vmax.f32 v12, v55  }
0x4e: {  	v13 =	vmax.f32 v27, v62;
	v57 =	vsel vm0, $0xFF61B1E6, v11;
	v12 =	vmax.f32 v12, v56  }
0x4f: {  	v29 =	vsel vm5, $0x3F800000, v2;
	v17 =	vsel vm4, $0x3F800000, v2;
	v12 =	vmax.f32 v12, v57  }
0x50: {  	v32 =	vsel vm3, $0x3F800000, v2;
	v35 =	vsel vm2, $0x3F800000, v2;
	vm8 =	veq.f32 v11, v12  }
0x51: {  	v21 =	vsel vm1, $0x3F800000, v2;
	vm13 =	veq.f32 v9, v12;
	vm8 =	vmand vm9, vm8  }
0x52: {  	vm15 =	veq.f32 v8, v12;
	vm14 =	vmand vm10, vm13;
	v58 =	vsel vm8, $0x7, v0  }
0x53: {  	vm13 =	veq.f32 v7, v12;
	vm8 =	vmand vm12, vm15;
	v9 =	vsel vm14, $0x6, v58  }
0x54: {  	vm12 =	veq.f32 v6, v12;
	vm14 =	vne.s32 v10, $0x4;
	v59 =	vsel vm8, $0x5, v9  }
0x55: {  	vm15 =	vmand vm14, vm13;
	vm13 =	vne.s32 v10, $0x3;
	vm14 =	veq.f32 v5, v12  }
0x56: {  	v7 =	vsel vm15, $0x4, v59;
	vm8 =	vmand vm13, vm12;
	vm15 =	vne.s32 v10, $0x2  }
0x57: {  	vm13 =	vne.f32 v4, v12;
	vm12 =	vmand vm15, vm14;
	vm15 =	veq.f32 v3, v12  }
0x58: {  	v7 =	vsel vm8, $0x3, v7;
	vm14 =	vmor vm6, vm13;
	v3 =	vld [tilespmem:$0x190];
	vm9 =	vmand vm7, vm15  }
0x59: {  	v63 =	vld [tilespmem:$0x210];
	v44 =	vsel vm0, $0x3F800000, v2;
	v7 =	vsel vm12, $0x2, v7;
	vm11 =	vmor vm9, vm14  }
0x5a: {  	v24 =	vld [tilespmem:$0x290];
	v7 =	vnsel vm14, $0x1, v7;
	v25 =	vsel vm9, $0x3F800000, v2;
	v15 =	vsel vm11, $0x0, v1  }
0x5b: {  	v26 =	vld [tilespmem:$0x310];
	v7 =	vsel vm9, $0x0, v7;
	v9 =	vadd.f32 v25, v23;
	v28 =	vadd.f32 v15, v14  }
0x5c: {  	v16 =	vld [tilespmem:$0x390];
	vm12 =	veq.s32 v7, $0x2;
	vm13 =	veq.s32 v7, $0x3;
	vm14 =	veq.s32 v7, $0x4  }
0x5d: {  	v10 =	vld [tilespmem:$0x20];
	vm11 =	veq.s32 v7, $0x5;
	v13 =	vmax.f32 v13, v3;
	v30 =	vsel vm12, $0x3F800000, v2  }
0x5e: {  	v18 =	vsel vm13, $0x3F800000, v2;
	v33 =	vsel vm14, $0x3F800000, v2;
	v13 =	vmax.f32 v13, v63  }
0x5f: {  	v20 =	vsel vm11, $0x3F800000, v2;
	vm11 =	veq.s32 v7, $0x7;
	v13 =	vmax.f32 v13, v24  }
0x60: {  	v14 =	vadd.f32 v30, v29;
	v31 =	vadd.f32 v18, v17;
	v13 =	vmax.f32 v13, v26  }
0x61: {  	v17 =	vadd.f32 v33, v32;
	v46 =	vsel vm11, $0x3F800000, v2;
	v13 =	vmax.f32 v13, v16  }
0x62: {  	v33 =	vmax.f32 v10, $-3.000000010e+38;
	v47 =	vadd.f32 v46, v44;
	vm15 =	veq.f32 v16, v13  }
0x63: {  	vm8 =	veq.f32 v26, v13;
	vm9 =	veq.f32 v24, v13;
	v19 =	vsel vm15, $0x7, v0  }
0x64: {  	vm10 =	veq.f32 v63, v13;
	vm12 =	veq.f32 v3, v13;
	v34 =	vsel vm8, $0x6, v19  }
0x65: {  	vm13 =	veq.f32 v62, v13;
	vm14 =	veq.f32 v61, v13;
	v18 =	vsel vm9, $0x5, v34  }
0x66: {  	vm7 =	vne.f32 v60, v13;
	vm15 =	veq.s32 v7, $0x6;
	v18 =	vsel vm10, $0x4, v18  }
0x67: {  	v49 =	vsel vm7, $0x0, v1;
	vm8 =	vmand vm7, vm14;
	v18 =	vsel vm12, $0x3, v18  }
0x68: {  	v23 =	vsel vm15, $0x3F800000, v2;
	v19 =	vadd.f32 v20, v35;
	v18 =	vsel vm13, $0x2, v18  }
0x69: {  	v4 =	vadd.f32 v9, v49;
	v22 =	vsel vm8, $0xFF61B1E6, v61;
	v18 =	vsel vm14, $0x1, v18  }
0x6a: {  	v43 =	vadd.f32 v23, v21;
	v51 =	vsel vm8, $0x3F800000, v2;
	v13 =	vnsel vm7, $0x0, v18  }
0x6b: {  	v5 =	vadd.f32 v28, v51;
	v18 =	vnsel vm7, $0xFF61B1E6, v36;
	vm6 =	veq.s32 v13, $0x2  }
0x6c: {  	v18 =	vmax.f32 v18, v22;
	vm5 =	veq.s32 v13, $0x3;
	vm4 =	veq.s32 v13, $0x4  }
0x6d: {  	vm3 =	veq.s32 v13, $0x5;
	vm2 =	veq.s32 v13, $0x6;
	v37 =	vsel vm6, $0xFF61B1E6, v62  }
0x6e: {  	vm1 =	veq.s32 v13, $0x7;
	v38 =	vsel vm5, $0xFF61B1E6, v3;
	v18 =	vmax.f32 v18, v37  }
0x6f: {  	vm13 =	vne.s32 v13, $0x7;
	v39 =	vsel vm4, $0xFF61B1E6, v63;
	v18 =	vmax.f32 v18, v38  }
0x70: {  	vm15 =	vne.s32 v13, $0x6;
	v40 =	vsel vm3, $0xFF61B1E6, v24;
	v18 =	vmax.f32 v18, v39  }
0x71: {  	v41 =	vsel vm2, $0xFF61B1E6, v26;
	v42 =	vsel vm1, $0xFF61B1E6, v16;
	v18 =	vmax.f32 v18, v40  }
0x72: {  	v25 =	vsel vm4, $0x3F800000, v2;
	v29 =	vsel vm3, $0x3F800000, v2;
	v18 =	vmax.f32 v18, v41  }
0x73: {  	v32 =	vsel vm2, $0x3F800000, v2;
	v41 =	vsel vm1, $0x3F800000, v2;
	v18 =	vmax.f32 v18, v42  }
0x74: {  	v12 =	vadd.f32 v47, v41;
	vm12 =	veq.f32 v16, v18;
	vm14 =	veq.f32 v26, v18  }
0x75: {  	vm0 =	vmand vm13, vm12;
	vm10 =	vmand vm15, vm14;
	vm12 =	veq.f32 v24, v18  }
0x76: {  	vm13 =	vne.s32 v13, $0x5;
	vm14 =	veq.f32 v63, v18;
	vm15 =	vne.s32 v13, $0x4  }
0x77: {  	v63 =	vsel vm5, $0x3F800000, v2;
	v45 =	vsel vm0, $0x7, v0;
	vm0 =	vmand vm13, vm12  }
0x78: {  	v48 =	vld [tilespmem:$0xA0];
	vm12 =	vmand vm15, vm14;
	vm13 =	veq.f32 v3, v18;
	v7 =	vsel vm10, $0x6, v45  }
0x79: {  	vm14 =	vne.s32 v13, $0x3;
	vm15 =	veq.f32 v62, v18;
	v7 =	vsel vm0, $0x5, v7  }
0x7a: {  	v24 =	vadd.f32 v31, v63;
	vm0 =	vmand vm14, vm13;
	v7 =	vsel vm12, $0x4, v7  }
0x7b: {  	v50 =	vld [tilespmem:$0x120];
	vm14 =	vne.f32 v61, v18;
	vm12 =	vne.s32 v13, $0x2;
	v3 =	vsel vm0, $0x3, v7  }
0x7c: {  	v52 =	vld [tilespmem:$0x1A0];
	vm13 =	vmand vm12, vm15;
	vm15 =	vmor vm8, vm14;
	vm12 =	veq.f32 v60, v18  }
0x7d: {  	v54 =	vld [tilespmem:$0x220];
	v60 =	vmax.f32 v10, v48;
	v3 =	vsel vm13, $0x2, v3;
	vm7 =	vmand vm7, vm12  }
0x7e: {  	v57 =	vld [tilespmem:$0x2A0];
	v7 =	vadd.f32 v17, v25;
	v3 =	vnsel vm15, $0x1, v3;
	vm0 =	vmor vm7, vm15  }
0x7f: {  	v59 =	vld [tilespmem:$0x320];
	v53 =	vsel vm7, $0x3F800000, v2;
	v55 =	vsel vm7, $0x0, v3;
	v3 =	vsel vm0, $0x0, v1  }
0x80: {  	v61 =	vld [tilespmem:$0x3A0];
	v56 =	vadd.f32 v53, v4;
	v4 =	vmax.f32 v60, v50;
	v58 =	vadd.f32 v3, v5  }
0x81: {  	v3 =	vsel vm6, $0x3F800000, v2;
	vm13 =	veq.s32 v55, $0x2;
	v4 =	vmax.f32 v4, v52  }
0x82: {  	vm14 =	veq.s32 v55, $0x3;
	vm15 =	veq.s32 v55, $0x4;
	v4 =	vmax.f32 v4, v54  }
0x83: {  	vm10 =	veq.s32 v55, $0x5;
	v3 =	vadd.f32 v14, v3;
	v4 =	vmax.f32 v4, v57  }
0x84: {  	v62 =	vsel vm13, $0x3F800000, v2;
	v26 =	vsel vm14, $0x3F800000, v2;
	v4 =	vmax.f32 v4, v59  }
0x85: {  	v27 =	vsel vm15, $0x3F800000, v2;
	v31 =	vsel vm10, $0x3F800000, v2;
	v28 =	vmax.f32 v4, v61  }
0x86: {  	vm15 =	veq.s32 v55, $0x6;
	v5 =	vadd.f32 v27, v7;
	vm7 =	veq.f32 v61, v28  }
0x87: {  	v7 =	vadd.f32 v19, v29;
	vm8 =	veq.f32 v59, v28;
	v30 =	vsel vm7, $0x7, v0  }
0x88: {  	v19 =	vadd.f32 v43, v32;
	vm9 =	veq.f32 v57, v28;
	v8 =	vsel vm8, $0x6, v30  }
0x89: {  	v3 =	vadd.f32 v62, v3;
	vm11 =	veq.f32 v54, v28;
	v8 =	vsel vm9, $0x5, v8  }
0x8a: {  	v4 =	vadd.f32 v26, v24;
	vm12 =	veq.f32 v52, v28;
	v8 =	vsel vm11, $0x4, v8  }
0x8b: {  	v24 =	vsel vm15, $0x3F800000, v2;
	vm13 =	veq.f32 v50, v28;
	v8 =	vsel vm12, $0x3, v8  }
0x8c: {  	vm14 =	veq.f32 v48, v28;
	vm8 =	vne.f32 v10, v28;
	v8 =	vsel vm13, $0x2, v8  }
0x8d: {  	vm7 =	vmand vm8, vm14;
	v51 =	vsel vm8, $0x0, v1;
	v8 =	vsel vm14, $0x1, v8  }
0x8e: {  	v34 =	vsel vm7, $0xFF61B1E6, v48;
	v53 =	vsel vm7, $0x3F800000, v2;
	v17 =	vnsel vm8, $0x0, v8  }
0x8f: {  	v22 =	vadd.f32 v58, v53;
	v8 =	vnsel vm8, $0xFF61B1E6, v33;
	vm6 =	veq.s32 v17, $0x2  }
0x90: {  	v8 =	vmax.f32 v8, v34;
	vm5 =	veq.s32 v17, $0x3;
	vm4 =	veq.s32 v17, $0x4  }
0x91: {  	vm3 =	veq.s32 v17, $0x5;
	vm2 =	veq.s32 v17, $0x6;
	vm0 =	veq.s32 v17, $0x7  }
0x92: {  	vm13 =	vne.s32 v17, $0x7;
	vm15 =	vne.s32 v17, $0x6;
	v35 =	vsel vm6, $0xFF61B1E6, v50  }
0x93: {  	v36 =	vsel vm5, $0xFF61B1E6, v52;
	v37 =	vsel vm4, $0xFF61B1E6, v54;
	v8 =	vmax.f32 v8, v35  }
0x94: {  	v38 =	vsel vm3, $0xFF61B1E6, v57;
	v39 =	vsel vm2, $0xFF61B1E6, v59;
	v8 =	vmax.f32 v8, v36  }
0x95: {  	v25 =	vsel vm0, $0xFF61B1E6, v61;
	v27 =	vsel vm5, $0x3F800000, v2;
	v8 =	vmax.f32 v8, v37  }
0x96: {  	v29 =	vsel vm4, $0x3F800000, v2;
	v32 =	vsel vm3, $0x3F800000, v2;
	v8 =	vmax.f32 v8, v38  }
0x97: {  	v4 =	vadd.f32 v4, v27;
	v5 =	vadd.f32 v5, v29;
	v20 =	vmax.f32 v8, v39  }
0x98: {  	v6 =	vld [tilespmem:$0x30];
	v8 =	vadd.f32 v31, v7;
	v7 =	vadd.f32 v24, v19;
	v40 =	vmax.f32 v20, v25  }
0x99: {  	v37 =	vsel vm2, $0x3F800000, v2;
	v20 =	vadd.f32 v56, v51;
	vm12 =	veq.f32 v61, v40  }
0x9a: {  	vm14 =	veq.f32 v59, v40;
	v8 =	vadd.f32 v8, v32;
	v7 =	vadd.f32 v7, v37  }
0x9b: {  	vm1 =	vmand vm13, vm12;
	vm11 =	vmand vm15, vm14;
	vm12 =	veq.f32 v57, v40  }
0x9c: {  	vm13 =	vne.s32 v17, $0x5;
	vm14 =	veq.f32 v54, v40;
	vm15 =	vne.s32 v17, $0x4  }
0x9d: {  	v9 =	vld [tilespmem:$0xB0];
	v57 =	vmax.f32 v6, $-3.000000010e+38;
	v42 =	vsel vm1, $0x7, v0;
	vm1 =	vmand vm13, vm12  }
0x9e: {  	vm10 =	vmand vm15, vm14;
	vm12 =	veq.f32 v52, v40;
	vm13 =	vne.s32 v17, $0x3  }
0x9f: {  	vm14 =	veq.f32 v50, v40;
	vm15 =	vne.s32 v17, $0x2;
	v14 =	vsel vm11, $0x6, v42  }
0xa0: {  	vm11 =	veq.s32 v55, $0x7;
	v55 =	vsel vm6, $0x3F800000, v2;
	v43 =	vsel vm1, $0x5, v14;
	v14 =	vld [tilespmem:$0x130]  }
0xa1: {  	v18 =	vld [tilespmem:$0x1B0];
	vm1 =	vmand vm13, vm12;
	v45 =	vsel vm11, $0x3F800000, v2;
	vm11 =	vmand vm15, vm14  }
0xa2: {  	v44 =	vld [tilespmem:$0x230];
	vm12 =	vne.f32 v48, v40;
	v48 =	vmax.f32 v6, v9;
	vm13 =	veq.f32 v10, v40  }
0xa3: {  	v46 =	vld [tilespmem:$0x2B0];
	v3 =	vadd.f32 v3, v55;
	v11 =	vsel vm10, $0x4, v43;
	vm9 =	vmand vm8, vm13  }
0xa4: {  	v47 =	vld [tilespmem:$0x330];
	v12 =	vadd.f32 v45, v12;
	v11 =	vsel vm1, $0x3, v11;
	vm1 =	vmor vm7, vm12  }
0xa5: {  	v49 =	vld [tilespmem:$0x3B0];
	v52 =	vsel vm9, $0x3F800000, v2;
	v11 =	vsel vm11, $0x2, v11;
	v50 =	vmax.f32 v48, v14  }
0xa6: {  	v38 =	vadd.f32 v52, v20;
	v11 =	vnsel vm1, $0x1, v11;
	v15 =	vmax.f32 v50, v18  }
0xa7: {  	vm1 =	vmor vm9, vm1;
	v11 =	vsel vm9, $0x0, v11;
	v15 =	vmax.f32 v15, v44  }
0xa8: {  	v54 =	vsel vm1, $0x0, v1;
	vm14 =	veq.s32 v11, $0x2;
	v15 =	vmax.f32 v15, v46  }
0xa9: {  	vm11 =	veq.s32 v11, $0x3;
	v39 =	vadd.f32 v54, v22;
	v15 =	vmax.f32 v15, v47  }
0xaa: {  	v56 =	vsel vm14, $0x3F800000, v2;
	v28 =	vsel vm11, $0x3F800000, v2;
	v15 =	vmax.f32 v15, v49  }
0xab: {  	v3 =	vadd.f32 v56, v3;
	v4 =	vadd.f32 v28, v4;
	vm15 =	veq.f32 v49, v15  }
0xac: {  	vm9 =	veq.f32 v47, v15;
	vm10 =	veq.f32 v46, v15;
	v26 =	vsel vm15, $0x7, v0  }
0xad: {  	vm12 =	veq.f32 v44, v15;
	vm13 =	veq.f32 v18, v15;
	v26 =	vsel vm9, $0x6, v26  }
0xae: {  	vm14 =	veq.f32 v14, v15;
	vm5 =	veq.f32 v9, v15;
	v26 =	vsel vm10, $0x5, v26  }
0xaf: {  	vm8 =	vne.f32 v6, v15;
	vm15 =	veq.s32 v11, $0x4;
	v26 =	vsel vm12, $0x4, v26  }
0xb0: {  	v30 =	vsel vm15, $0x3F800000, v2;
	vm9 =	vmand vm8, vm5;
	v26 =	vsel vm13, $0x3, v26  }
0xb1: {  	v31 =	vsel vm9, $0xFF61B1E6, v9;
	v5 =	vadd.f32 v30, v5;
	v26 =	vsel vm14, $0x2, v26  }
0xb2: {  	v50 =	vsel vm9, $0x3F800000, v2;
	vm12 =	veq.s32 v11, $0x5;
	v26 =	vsel vm5, $0x1, v26  }
0xb3: {  	v36 =	vsel vm12, $0x3F800000, v2;
	v15 =	vnsel vm8, $0x0, v26;
	v26 =	vnsel vm8, $0xFF61B1E6, v57  }
0xb4: {  	v8 =	vadd.f32 v36, v8;
	vm10 =	veq.s32 v15, $0x2;
	v26 =	vmax.f32 v26, v31  }
0xb5: {  	vm5 =	veq.s32 v15, $0x3;
	vm6 =	veq.s32 v15, $0x4;
	vm7 =	veq.s32 v15, $0x5  }
0xb6: {  	vm4 =	veq.s32 v15, $0x6;
	vm1 =	veq.s32 v15, $0x7;
	vm14 =	vne.s32 v15, $0x7  }
0xb7: {  	vm12 =	vne.s32 v15, $0x6;
	v58 =	vsel vm10, $0xFF61B1E6, v14;
	v59 =	vsel vm5, $0xFF61B1E6, v18  }
0xb8: {  	v60 =	vsel vm6, $0xFF61B1E6, v44;
	v61 =	vsel vm7, $0xFF61B1E6, v46;
	v26 =	vmax.f32 v26, v58  }
0xb9: {  	v62 =	vsel vm4, $0xFF61B1E6, v47;
	v63 =	vsel vm1, $0xFF61B1E6, v49;
	v26 =	vmax.f32 v26, v59  }
0xba: {  	v52 =	vsel vm10, $0x3F800000, v2;
	v55 =	vsel vm5, $0x3F800000, v2;
	v26 =	vmax.f32 v26, v60  }
0xbb: {  	v56 =	vsel vm6, $0x3F800000, v2;
	v3 =	vadd.f32 v3, v52;
	v26 =	vmax.f32 v26, v61  }
0xbc: {  	v4 =	vadd.f32 v4, v55;
	v58 =	vsel vm7, $0x3F800000, v2;
	v26 =	vmax.f32 v26, v62  }
0xbd: {  	v5 =	vadd.f32 v5, v56;
	v8 =	vadd.f32 v8, v58;
	v26 =	vmax.f32 v26, v63  }
0xbe: {  	v61 =	vsel vm4, $0x3F800000, v2;
	v62 =	vsel vm1, $0x3F800000, v2;
	vm13 =	veq.f32 v49, v26  }
0xbf: {  	vm15 =	veq.f32 v47, v26;
	vm11 =	veq.f32 v44, v26;
	v44 =	vsel vm0, $0x3F800000, v2  }
0xc0: {  	v49 =	vsel vm8, $0x0, v1;
	vm2 =	vmand vm14, vm13;
	vm3 =	vmand vm12, vm15  }
0xc1: {  	vm13 =	veq.f32 v46, v26;
	vm14 =	vne.s32 v15, $0x5;
	vm15 =	veq.s32 v11, $0x6  }
0xc2: {  	vm12 =	vne.s32 v15, $0x4;
	v12 =	vadd.f32 v12, v44;
	v40 =	vsel vm2, $0x7, v0  }
0xc3: {  	vm2 =	vmand vm14, vm13;
	v42 =	vsel vm15, $0x3F800000, v2;
	vm13 =	veq.s32 v11, $0x7  }
0xc4: {  	vm14 =	veq.f32 v18, v26;
	vm15 =	vne.s32 v15, $0x3;
	v41 =	vsel vm3, $0x6, v40  }
0xc5: {  	v45 =	vsel vm13, $0x3F800000, v2;
	v7 =	vadd.f32 v42, v7;
	vm0 =	vmand vm15, vm14  }
0xc6: {  	vm13 =	vne.f32 v9, v26;
	vm15 =	veq.f32 v6, v26;
	v9 =	vadd.f32 v38, v49  }
0xc7: {  	v43 =	vsel vm2, $0x5, v41;
	vm2 =	vmand vm12, vm11;
	vm11 =	veq.f32 v14, v26  }
0xc8: {  	vm12 =	vne.s32 v15, $0x2;
	v10 =	vadd.f32 v45, v12;
	v46 =	vsel vm2, $0x4, v43  }
0xc9: {  	vm2 =	vmand vm8, vm15;
	v11 =	vsel vm0, $0x3, v46;
	vm0 =	vmand vm12, vm11  }
0xca: {  	vm14 =	vmor vm9, vm13;
	v51 =	vsel vm2, $0x3F800000, v2;
	v47 =	vsel vm0, $0x2, v11  }
0xcb: {  	v11 =	vadd.f32 v39, v50;
	vm0 =	vmor vm2, vm14;
	v48 =	vnsel vm14, $0x1, v47  }
0xcc: {  	v9 =	vadd.f32 v51, v9;
	v53 =	vsel vm0, $0x0, v1;
	v6 =	vsel vm2, $0x0, v48  }
0xcd: {  	v7 =	vadd.f32 v7, v61;
	v11 =	vadd.f32 v53, v11;
	vm10 =	veq.s32 v6, $0x2  }
0xce: {  	[tilespmem:$0x400] =	vst v9;
	v9 =	vadd.f32 v10, v62;
	vm11 =	veq.s32 v6, $0x3;
	v54 =	vsel vm10, $0x3F800000, v2  }
0xcf: {  	vm12 =	veq.s32 v6, $0x4;
	v57 =	vsel vm11, $0x3F800000, v2;
	v3 =	vadd.f32 v54, v3  }
0xd0: {  	vm13 =	veq.s32 v6, $0x5;
	v59 =	vsel vm12, $0x3F800000, v2;
	[tilespmem:$0x480] =	vst v11;
	v4 =	vadd.f32 v57, v4  }
0xd1: {  	vm15 =	veq.s32 v6, $0x7;
	v60 =	vsel vm13, $0x3F800000, v2;
	v5 =	vadd.f32 v59, v5;
	[tilespmem:$0x500] =	vst v3  }
0xd2: {  	vm14 =	veq.s32 v6, $0x6;
	v63 =	vsel vm15, $0x3F800000, v2;
	v8 =	vadd.f32 v60, v8;
	[tilespmem:$0x580] =	vst v4  }
0xd3: {  	v3 =	vsel vm14, $0x3F800000, v2;
	[tilespmem:$0x600] =	vst v5;
	v4 =	vadd.f32 v63, v9  }
0xd4: {  	[tilespmem:$0x680] =	vst v8;
	v3 =	vadd.f32 v3, v7  }
0xd5: {  	p0 =	sne.s32 s12, $0x1;
	[tilespmem:$0x780] =	vst v4  }
.Ltmp0:
0xd6: {  	[tilespmem:$0x700] =	vst v3;
	(pc) =	sbr.rel @p0 .LBB2_1-.Ltmp0, $4  }
0xd7: {  	[hbm4b:s11+s2] =	stream.linear.scatter [tilespmem:s21], [sflag:$0x1], $0x400, $0x38;
	[tilespmem:$0x800] =	vst v63  }
0xd8: {  	_ =	swait.ge [sflag:s13], $0x400  }
0xd9: {  	[sflag:s13] =	ssyncset.done $0x0  }
0xda: {  	s12 =	sadd.s32 $0xFFFFFFFF, s12;
	[sflag:s13] =	ssyncadd.s32 $0xFFFFFC00  }
0xdb: {  	_ =	sfence.sel $0x180000  }
0xdc: {  	[bflag:$0x0] =	sbarrier.arrive $0xFFFF  }
0xdd: {  	p0 =	sne.s32 s0, $0x0;
	_ =	strace $0x90000047  }
0xde: {  	s0 =	sadd.s32 @!p0 $0x100000, s1;
	[bflag:$0x2] =	sbarrier.arrive $0xFFFF  }
0xdf: {  	[sflag:s0] =	ssyncadd.tile.s32 @!p0 $0x1;
	_ =	shalt  }
.Lfunc_end2:
_tile_overlayer_lowered:
.L_overlay_start_2:
0xe0: {  	(tag) =	ssettag $0x2  }
0xe1: {  	s0 =	rddreg [dreg:$0x0];
	s2 =	stileid.u32  }
0xe2: {  	s1 =	rddreg [dreg:$0x1];
	p0 =	sne.s32 s2, $0x0  }
0xe3: {  	s3 =	rddreg [dreg:$0x2];
	[bflag:$0x3] =	sbarrier.arrive $0xFFFF;
	s2 =	simm.s32 @!p0 $0x1C01  }
0xe4: {  	[timem:s3], [sflag:s2] =	dma.local @!p0 [hbm:s0], s1  }
0xe5: {  	s0 =	simm.s32 @!p0 $0x1  }
0xe6: {  	_ =	swait.ge @!p0 [sflag:s0], s1  }
0xe7: {  	s1 =	ssub.s32 @!p0 $0x0, s1;
	[sflag:s0] =	ssyncset.done @!p0 $0x0  }
0xe8: {  	[sflag:s0] =	ssyncadd.s32 @!p0 s1  }
0xe9: {  	[bflag:$0x3] =	sbarrier.arrive $0xFFFF  }
0xea: {  	_ =	shalt  }

</sc_bundles>
